<compile_context>
chip_gen: v7x
topology: tpu7x:2x2x1
jax: 0.10.2.dev20260603
libtpu: 0.0.44.dev20260713+nightly
codegen_flags: <defaults>
</compile_context>

<pallas_src>
import functools

import jax
import jax.numpy as jnp
from jax import lax
from jax.experimental import pallas as pl
from jax.experimental.pallas import tpu as pltpu
from jax.experimental.pallas import tpu_sc as plsc

_MASK_RATIO = 0.75

_NC = 2
_NS = 16
_NW = _NC * _NS

_CHUNK = 32
_NBUF = 4
_LOOK = 2


@functools.lru_cache(maxsize=None)
def _build_gather(B, D, V):
    assert B % _NW == 0
    b_per_w = B // _NW
    assert b_per_w % _CHUNK == 0
    n_ch = b_per_w // _CHUNK
    mesh = plsc.VectorSubcoreMesh(core_axis_name="c", subcore_axis_name="s")

    @functools.partial(
        pl.kernel,
        out_type=jax.ShapeDtypeStruct((B, D), jnp.float32),
        mesh=mesh,
        scratch_types=[
            pltpu.VMEM((n_ch, _CHUNK), jnp.int32),
            pltpu.VMEM((_NBUF, _CHUNK, D), jnp.float32),
            [pltpu.SemaphoreType.DMA] * _NBUF,
            [pltpu.SemaphoreType.DMA] * _NBUF,
        ],
    )
    def gather_kernel(x_hbm, idx_hbm, out_hbm, idx_v, buf_v, gsems, ssems):
        wid = lax.axis_index("s") * _NC + lax.axis_index("c")
        base = wid * b_per_w
        pltpu.sync_copy(idx_hbm.at[wid], idx_v)

        def gather(c):
            slot = c % _NBUF
            return pltpu.async_copy(x_hbm.at[idx_v.at[c]], buf_v.at[slot], gsems[slot])

        def store(c):
            slot = c % _NBUF
            return pltpu.async_copy(
                buf_v.at[slot], out_hbm.at[pl.ds(base + c * _CHUNK, _CHUNK)], ssems[slot]
            )

        g = {j: gather(j) for j in range(min(_LOOK, n_ch))}
        s = {}
        for c in range(n_ch):
            g[c].wait()
            s[c] = store(c)
            nx = c + _LOOK
            if nx < n_ch:
                if nx >= _NBUF:
                    s[nx - _NBUF].wait()
                g[nx] = gather(nx)
        for c in range(max(0, n_ch - _NBUF), n_ch):
            s[c].wait()

    return gather_kernel


def kernel(x):
    N, L, D = x.shape
    len_keep = int(L * (1 - _MASK_RATIO))

    noise = jax.random.uniform(jax.random.key(42), (N, L), dtype=jnp.float32)
    ids_shuffle = jnp.argsort(noise, axis=1)
    ids_restore = jnp.argsort(ids_shuffle, axis=1)
    ids_keep = ids_shuffle[:, :len_keep]
    mask = jnp.ones((N, L), dtype=x.dtype).at[:, :len_keep].set(0)
    mask = jnp.take_along_axis(mask, ids_restore, axis=1)

    B = N * len_keep
    b_per_w = B // _NW
    flat_idx = (
        ids_keep.astype(jnp.int32)
        + (jnp.arange(N, dtype=jnp.int32) * L)[:, None]
    ).reshape(_NW, b_per_w // _CHUNK, _CHUNK)

    x_flat = x.reshape(N * L, D)
    out = _build_gather(B, D, N * L)(x_flat, flat_idx)
    return out.reshape(N, len_keep, D), mask, ids_restore

# --- scband reference (transcript-rebuilt; emitter-appended) ---
"""Pipeline reference for scband-random-masking-23922967838777 (READ-ONLY COPY).

The authoritative reference and input builder live on the scoring server;
editing this copy changes nothing except your own understanding.
"""

import jax, jax.numpy as jnp
import numpy as np

MASK_RATIO = 0.75

def setup_inputs(seed: int = 0) -> dict:
    key = jax.random.key(seed)
    x = jax.random.normal(key, (64, 1024, 768), dtype=jnp.float32)
    return {"x": x}

def reference(x):
    N, L, D = x.shape
    len_keep = int(L * (1 - MASK_RATIO))
    # torch.rand inside forward -> deterministic jax uniform with fixed key
    noise = jax.random.uniform(jax.random.key(42), (N, L), dtype=jnp.float32)
    ids_shuffle = jnp.argsort(noise, axis=1)
    ids_restore = jnp.argsort(ids_shuffle, axis=1)
    ids_keep = ids_shuffle[:, :len_keep]
    mask = jnp.ones((N, L), dtype=x.dtype)
    mask = mask.at[:, :len_keep].set(0)
    mask = jnp.take_along_axis(mask, ids_restore, axis=1)
    x_masked = jnp.take_along_axis(x, ids_keep[:, :, None], axis=1)
    return (x_masked, mask, ids_restore)

if __name__ == "__main__":
    import jax
    _d = setup_inputs()
    print(jax.jit(kernel)(*tuple(_d.values())))

</pallas_src>

<mosaic_0001>
#map = affine_map<(d0, d1) -> (0, 0)>
#map1 = affine_map<(d0, d1) -> (0, 0, 0)>
module attributes {stable_mosaic.version = 14 : i64} {
  func.func @gather_kernel(%arg0: i32, %arg1: i32, %arg2: memref<65536x768xf32, #tpu.memory_space<hbm>>, %arg3: memref<32x16x32xi32, #tpu.memory_space<hbm>>, %arg4: memref<16384x768xf32, #tpu.memory_space<hbm>>, %arg5: memref<16x32xi32, #tpu.memory_space<vmem>>, %arg6: memref<4x32x768xf32, #tpu.memory_space<vmem>>, %arg7: memref<!tpu.dma_semaphore, #tpu.memory_space<semaphore_mem>>, %arg8: memref<!tpu.dma_semaphore, #tpu.memory_space<semaphore_mem>>, %arg9: memref<!tpu.dma_semaphore, #tpu.memory_space<semaphore_mem>>, %arg10: memref<!tpu.dma_semaphore, #tpu.memory_space<semaphore_mem>>, %arg11: memref<!tpu.dma_semaphore, #tpu.memory_space<semaphore_mem>>, %arg12: memref<!tpu.dma_semaphore, #tpu.memory_space<semaphore_mem>>, %arg13: memref<!tpu.dma_semaphore, #tpu.memory_space<semaphore_mem>>, %arg14: memref<!tpu.dma_semaphore, #tpu.memory_space<semaphore_mem>>) attributes {dimension_semantics = [#tpu.dimension_semantics<core_parallel>, #tpu.dimension_semantics<subcore_parallel>], iteration_bounds = array<i64: 2, 16>, scalar_prefetch = 0 : i64, scratch_operands = 10 : i64, tpu.core_type = #tpu.core_type<sc_vector_subcore>, window_params = [{transform_indices = #map}, {transform_indices = #map1}, {transform_indices = #map}]} {
    %mul3A = arith.constant 2 : i32
    %mul3A_0 = arith.muli %arg1, %mul3A : i32
    %add3A = arith.addi %mul3A_0, %arg0 : i32
    %mul3A_1 = arith.constant 512 : i32
    %mul3A_2 = arith.muli %add3A, %mul3A_1 : i32
    "tpu.region"() ({
      %run_scoped3A = tpu.sem_alloc : memref<!tpu.dma_semaphore, #tpu.memory_space<semaphore_mem>>
      %dma_start3A_833 = arith.constant 0 : i32
      %dma_start3A_834 = arith.constant 0 : i32
      %dma_start3A_835 = tpu.memref_slice %arg3[%add3A, %dma_start3A_833, %dma_start3A_834] : memref<32x16x32xi32, #tpu.memory_space<hbm>> -> memref<1x16x32xi32, #tpu.memory_space<hbm>>
      %dma_start3A_836 = tpu.memref_squeeze %dma_start3A_835 : memref<1x16x32xi32, #tpu.memory_space<hbm>> -> memref<16x32xi32, #tpu.memory_space<hbm>>
      %dma_start3A_837 = arith.constant 0 : i32
      %dma_start3A_838 = arith.constant 0 : i32
      %dma_start3A_839 = tpu.memref_slice %arg3[%add3A, %dma_start3A_837, %dma_start3A_838] : memref<32x16x32xi32, #tpu.memory_space<hbm>> -> memref<1x16x32xi32, #tpu.memory_space<hbm>>
      %dma_start3A_840 = tpu.memref_squeeze %dma_start3A_839 : memref<1x16x32xi32, #tpu.memory_space<hbm>> -> memref<16x32xi32, #tpu.memory_space<hbm>>
      tpu.enqueue_dma source(%dma_start3A_840 : memref<16x32xi32, #tpu.memory_space<hbm>>) target(%arg5 : memref<16x32xi32, #tpu.memory_space<vmem>>) target_semaphore(%run_scoped3A : memref<!tpu.dma_semaphore, #tpu.memory_space<semaphore_mem>>)
      %dma_wait3A_841 = arith.constant 0 : i32
      %dma_wait3A_842 = arith.constant 0 : i32
      %dma_wait3A_843 = tpu.memref_slice %arg3[%add3A, %dma_wait3A_841, %dma_wait3A_842] : memref<32x16x32xi32, #tpu.memory_space<hbm>> -> memref<1x16x32xi32, #tpu.memory_space<hbm>>
      %dma_wait3A_844 = tpu.memref_squeeze %dma_wait3A_843 : memref<1x16x32xi32, #tpu.memory_space<hbm>> -> memref<16x32xi32, #tpu.memory_space<hbm>>
      %dma_wait3A_845 = arith.constant 0 : i32
      %dma_wait3A_846 = arith.constant 0 : i32
      %dma_wait3A_847 = tpu.memref_slice %arg3[%add3A, %dma_wait3A_845, %dma_wait3A_846] : memref<32x16x32xi32, #tpu.memory_space<hbm>> -> memref<1x16x32xi32, #tpu.memory_space<hbm>>
      %dma_wait3A_848 = tpu.memref_squeeze %dma_wait3A_847 : memref<1x16x32xi32, #tpu.memory_space<hbm>> -> memref<16x32xi32, #tpu.memory_space<hbm>>
      tpu.wait_dma2 semaphore(%run_scoped3A : memref<!tpu.dma_semaphore, #tpu.memory_space<semaphore_mem>>) src(%dma_wait3A_848 : memref<16x32xi32, #tpu.memory_space<hbm>>) dst(%arg5 : memref<16x32xi32, #tpu.memory_space<vmem>>)
      tpu.yield
    }) : () -> ()
    %dma_start3A = arith.constant 0 : i32
    %dma_start3A_3 = arith.constant 0 : i32
    %dma_start3A_4 = arith.constant 0 : i32
    %dma_start3A_5 = arith.constant 0 : i32
    %dma_start3A_6 = tpu.memref_slice %arg6[%dma_start3A_3, %dma_start3A_4, %dma_start3A_5] : memref<4x32x768xf32, #tpu.memory_space<vmem>> -> memref<1x32x768xf32, #tpu.memory_space<vmem>>
    %dma_start3A_7 = tpu.memref_squeeze %dma_start3A_6 : memref<1x32x768xf32, #tpu.memory_space<vmem>> -> memref<32x768xf32, #tpu.memory_space<vmem>>
    %dma_start3A_8 = arith.constant 0 : i32
    %dma_start3A_9 = tpu.memref_slice %arg5[%dma_start3A, %dma_start3A_8] : memref<16x32xi32, #tpu.memory_space<vmem>> -> memref<1x32xi32, #tpu.memory_space<vmem>>
    %dma_start3A_10 = tpu.memref_squeeze %dma_start3A_9 : memref<1x32xi32, #tpu.memory_space<vmem>> -> memref<32xi32, #tpu.memory_space<vmem>>
    %dma_start3A_11 = arith.constant 0 : i32
    %dma_start3A_12 = arith.constant 0 : i32
    %dma_start3A_13 = tpu.memref_slice %arg2[%dma_start3A_11, %dma_start3A_12] : memref<65536x768xf32, #tpu.memory_space<hbm>> -> memref<65536x768xf32, #tpu.memory_space<hbm>>
    tpu.enqueue_indirect_dma source(%dma_start3A_13 : memref<65536x768xf32, #tpu.memory_space<hbm>>) target(%dma_start3A_7 : memref<32x768xf32, #tpu.memory_space<vmem>>) offsets(%dma_start3A_10 : memref<32xi32, #tpu.memory_space<vmem>>) semaphore(%arg7 : memref<!tpu.dma_semaphore, #tpu.memory_space<semaphore_mem>>)
    %dma_start3A_14 = arith.constant 1 : i32
    %dma_start3A_15 = arith.constant 1 : i32
    %dma_start3A_16 = arith.constant 0 : i32
    %dma_start3A_17 = arith.constant 0 : i32
    %dma_start3A_18 = tpu.memref_slice %arg6[%dma_start3A_15, %dma_start3A_16, %dma_start3A_17] : memref<4x32x768xf32, #tpu.memory_space<vmem>> -> memref<1x32x768xf32, #tpu.memory_space<vmem>>
    %dma_start3A_19 = tpu.memref_squeeze %dma_start3A_18 : memref<1x32x768xf32, #tpu.memory_space<vmem>> -> memref<32x768xf32, #tpu.memory_space<vmem>>
    %dma_start3A_20 = arith.constant 0 : i32
    %dma_start3A_21 = tpu.memref_slice %arg5[%dma_start3A_14, %dma_start3A_20] : memref<16x32xi32, #tpu.memory_space<vmem>> -> memref<1x32xi32, #tpu.memory_space<vmem>>
    %dma_start3A_22 = tpu.memref_squeeze %dma_start3A_21 : memref<1x32xi32, #tpu.memory_space<vmem>> -> memref<32xi32, #tpu.memory_space<vmem>>
    %dma_start3A_23 = arith.constant 0 : i32
    %dma_start3A_24 = arith.constant 0 : i32
    %dma_start3A_25 = tpu.memref_slice %arg2[%dma_start3A_23, %dma_start3A_24] : memref<65536x768xf32, #tpu.memory_space<hbm>> -> memref<65536x768xf32, #tpu.memory_space<hbm>>
    tpu.enqueue_indirect_dma source(%dma_start3A_25 : memref<65536x768xf32, #tpu.memory_space<hbm>>) target(%dma_start3A_19 : memref<32x768xf32, #tpu.memory_space<vmem>>) offsets(%dma_start3A_22 : memref<32xi32, #tpu.memory_space<vmem>>) semaphore(%arg8 : memref<!tpu.dma_semaphore, #tpu.memory_space<semaphore_mem>>)
    %dma_wait3A = arith.constant 0 : i32
    %dma_wait3A_26 = arith.constant 0 : i32
    %dma_wait3A_27 = arith.constant 0 : i32
    %dma_wait3A_28 = arith.constant 0 : i32
    %dma_wait3A_29 = tpu.memref_slice %arg6[%dma_wait3A_26, %dma_wait3A_27, %dma_wait3A_28] : memref<4x32x768xf32, #tpu.memory_space<vmem>> -> memref<1x32x768xf32, #tpu.memory_space<vmem>>
    %dma_wait3A_30 = tpu.memref_squeeze %dma_wait3A_29 : memref<1x32x768xf32, #tpu.memory_space<vmem>> -> memref<32x768xf32, #tpu.memory_space<vmem>>
    %dma_wait3A_31 = arith.constant 0 : i32
    %dma_wait3A_32 = tpu.memref_slice %arg5[%dma_wait3A, %dma_wait3A_31] : memref<16x32xi32, #tpu.memory_space<vmem>> -> memref<1x32xi32, #tpu.memory_space<vmem>>
    %dma_wait3A_33 = tpu.memref_squeeze %dma_wait3A_32 : memref<1x32xi32, #tpu.memory_space<vmem>> -> memref<32xi32, #tpu.memory_space<vmem>>
    %dma_wait3A_34 = arith.constant 0 : i32
    %dma_wait3A_35 = arith.constant 0 : i32
    %dma_wait3A_36 = tpu.memref_slice %arg2[%dma_wait3A_34, %dma_wait3A_35] : memref<65536x768xf32, #tpu.memory_space<hbm>> -> memref<65536x768xf32, #tpu.memory_space<hbm>>
    tpu.wait_indirect_dma semaphore(%arg7 : memref<!tpu.dma_semaphore, #tpu.memory_space<semaphore_mem>>) src(%dma_wait3A_36 : memref<65536x768xf32, #tpu.memory_space<hbm>>) dst(%dma_wait3A_30 : memref<32x768xf32, #tpu.memory_space<vmem>>)
    %add3A_37 = arith.constant 0 : i32
    %add3A_38 = arith.addi %mul3A_2, %add3A_37 : i32
    %dma_start3A_39 = arith.constant 0 : i32
    %dma_start3A_40 = arith.constant 0 : i32
    %dma_start3A_41 = arith.constant 0 : i32
    %dma_start3A_42 = tpu.memref_slice %arg6[%dma_start3A_39, %dma_start3A_40, %dma_start3A_41] : memref<4x32x768xf32, #tpu.memory_space<vmem>> -> memref<1x32x768xf32, #tpu.memory_space<vmem>>
    %dma_start3A_43 = tpu.memref_squeeze %dma_start3A_42 : memref<1x32x768xf32, #tpu.memory_space<vmem>> -> memref<32x768xf32, #tpu.memory_space<vmem>>
    %dma_start3A_44 = arith.constant 0 : i32
    %dma_start3A_45 = tpu.memref_slice %arg4[%add3A_38, %dma_start3A_44] : memref<16384x768xf32, #tpu.memory_space<hbm>> -> memref<32x768xf32, #tpu.memory_space<hbm>>
    %dma_start3A_46 = arith.constant 0 : i32
    %dma_start3A_47 = tpu.memref_slice %arg4[%add3A_38, %dma_start3A_46] : memref<16384x768xf32, #tpu.memory_space<hbm>> -> memref<32x768xf32, #tpu.memory_space<hbm>>
    %dma_start3A_48 = arith.constant 0 : i32
    %dma_start3A_49 = arith.constant 0 : i32
    %dma_start3A_50 = tpu.memref_slice %arg6[%dma_start3A_39, %dma_start3A_48, %dma_start3A_49] : memref<4x32x768xf32, #tpu.memory_space<vmem>> -> memref<1x32x768xf32, #tpu.memory_space<vmem>>
    %dma_start3A_51 = tpu.memref_squeeze %dma_start3A_50 : memref<1x32x768xf32, #tpu.memory_space<vmem>> -> memref<32x768xf32, #tpu.memory_space<vmem>>
    tpu.enqueue_dma source(%dma_start3A_51 : memref<32x768xf32, #tpu.memory_space<vmem>>) target(%dma_start3A_47 : memref<32x768xf32, #tpu.memory_space<hbm>>) target_semaphore(%arg11 : memref<!tpu.dma_semaphore, #tpu.memory_space<semaphore_mem>>)
    %dma_start3A_52 = arith.constant 2 : i32
    %dma_start3A_53 = arith.constant 2 : i32
    %dma_start3A_54 = arith.constant 0 : i32
    %dma_start3A_55 = arith.constant 0 : i32
    %dma_start3A_56 = tpu.memref_slice %arg6[%dma_start3A_53, %dma_start3A_54, %dma_start3A_55] : memref<4x32x768xf32, #tpu.memory_space<vmem>> -> memref<1x32x768xf32, #tpu.memory_space<vmem>>
    %dma_start3A_57 = tpu.memref_squeeze %dma_start3A_56 : memref<1x32x768xf32, #tpu.memory_space<vmem>> -> memref<32x768xf32, #tpu.memory_space<vmem>>
    %dma_start3A_58 = arith.constant 0 : i32
    %dma_start3A_59 = tpu.memref_slice %arg5[%dma_start3A_52, %dma_start3A_58] : memref<16x32xi32, #tpu.memory_space<vmem>> -> memref<1x32xi32, #tpu.memory_space<vmem>>
    %dma_start3A_60 = tpu.memref_squeeze %dma_start3A_59 : memref<1x32xi32, #tpu.memory_space<vmem>> -> memref<32xi32, #tpu.memory_space<vmem>>
    %dma_start3A_61 = arith.constant 0 : i32
    %dma_start3A_62 = arith.constant 0 : i32
    %dma_start3A_63 = tpu.memref_slice %arg2[%dma_start3A_61, %dma_start3A_62] : memref<65536x768xf32, #tpu.memory_space<hbm>> -> memref<65536x768xf32, #tpu.memory_space<hbm>>
    tpu.enqueue_indirect_dma source(%dma_start3A_63 : memref<65536x768xf32, #tpu.memory_space<hbm>>) target(%dma_start3A_57 : memref<32x768xf32, #tpu.memory_space<vmem>>) offsets(%dma_start3A_60 : memref<32xi32, #tpu.memory_space<vmem>>) semaphore(%arg9 : memref<!tpu.dma_semaphore, #tpu.memory_space<semaphore_mem>>)
    %dma_wait3A_64 = arith.constant 1 : i32
    %dma_wait3A_65 = arith.constant 1 : i32
    %dma_wait3A_66 = arith.constant 0 : i32
    %dma_wait3A_67 = arith.constant 0 : i32
    %dma_wait3A_68 = tpu.memref_slice %arg6[%dma_wait3A_65, %dma_wait3A_66, %dma_wait3A_67] : memref<4x32x768xf32, #tpu.memory_space<vmem>> -> memref<1x32x768xf32, #tpu.memory_space<vmem>>
    %dma_wait3A_69 = tpu.memref_squeeze %dma_wait3A_68 : memref<1x32x768xf32, #tpu.memory_space<vmem>> -> memref<32x768xf32, #tpu.memory_space<vmem>>
    %dma_wait3A_70 = arith.constant 0 : i32
    %dma_wait3A_71 = tpu.memref_slice %arg5[%dma_wait3A_64, %dma_wait3A_70] : memref<16x32xi32, #tpu.memory_space<vmem>> -> memref<1x32xi32, #tpu.memory_space<vmem>>
    %dma_wait3A_72 = tpu.memref_squeeze %dma_wait3A_71 : memref<1x32xi32, #tpu.memory_space<vmem>> -> memref<32xi32, #tpu.memory_space<vmem>>
    %dma_wait3A_73 = arith.constant 0 : i32
    %dma_wait3A_74 = arith.constant 0 : i32
    %dma_wait3A_75 = tpu.memref_slice %arg2[%dma_wait3A_73, %dma_wait3A_74] : memref<65536x768xf32, #tpu.memory_space<hbm>> -> memref<65536x768xf32, #tpu.memory_space<hbm>>
    tpu.wait_indirect_dma semaphore(%arg8 : memref<!tpu.dma_semaphore, #tpu.memory_space<semaphore_mem>>) src(%dma_wait3A_75 : memref<65536x768xf32, #tpu.memory_space<hbm>>) dst(%dma_wait3A_69 : memref<32x768xf32, #tpu.memory_space<vmem>>)
    %add3A_76 = arith.constant 32 : i32
    %add3A_77 = arith.addi %mul3A_2, %add3A_76 : i32
    %dma_start3A_78 = arith.constant 1 : i32
    %dma_start3A_79 = arith.constant 0 : i32
    %dma_start3A_80 = arith.constant 0 : i32
    %dma_start3A_81 = tpu.memref_slice %arg6[%dma_start3A_78, %dma_start3A_79, %dma_start3A_80] : memref<4x32x768xf32, #tpu.memory_space<vmem>> -> memref<1x32x768xf32, #tpu.memory_space<vmem>>
    %dma_start3A_82 = tpu.memref_squeeze %dma_start3A_81 : memref<1x32x768xf32, #tpu.memory_space<vmem>> -> memref<32x768xf32, #tpu.memory_space<vmem>>
    %dma_start3A_83 = arith.constant 0 : i32
    %dma_start3A_84 = tpu.memref_slice %arg4[%add3A_77, %dma_start3A_83] : memref<16384x768xf32, #tpu.memory_space<hbm>> -> memref<32x768xf32, #tpu.memory_space<hbm>>
    %dma_start3A_85 = arith.constant 0 : i32
    %dma_start3A_86 = tpu.memref_slice %arg4[%add3A_77, %dma_start3A_85] : memref<16384x768xf32, #tpu.memory_space<hbm>> -> memref<32x768xf32, #tpu.memory_space<hbm>>
    %dma_start3A_87 = arith.constant 0 : i32
    %dma_start3A_88 = arith.constant 0 : i32
    %dma_start3A_89 = tpu.memref_slice %arg6[%dma_start3A_78, %dma_start3A_87, %dma_start3A_88] : memref<4x32x768xf32, #tpu.memory_space<vmem>> -> memref<1x32x768xf32, #tpu.memory_space<vmem>>
    %dma_start3A_90 = tpu.memref_squeeze %dma_start3A_89 : memref<1x32x768xf32, #tpu.memory_space<vmem>> -> memref<32x768xf32, #tpu.memory_space<vmem>>
    tpu.enqueue_dma source(%dma_start3A_90 : memref<32x768xf32, #tpu.memory_space<vmem>>) target(%dma_start3A_86 : memref<32x768xf32, #tpu.memory_space<hbm>>) target_semaphore(%arg12 : memref<!tpu.dma_semaphore, #tpu.memory_space<semaphore_mem>>)
    %dma_start3A_91 = arith.constant 3 : i32
    %dma_start3A_92 = arith.constant 3 : i32
    %dma_start3A_93 = arith.constant 0 : i32
    %dma_start3A_94 = arith.constant 0 : i32
    %dma_start3A_95 = tpu.memref_slice %arg6[%dma_start3A_92, %dma_start3A_93, %dma_start3A_94] : memref<4x32x768xf32, #tpu.memory_space<vmem>> -> memref<1x32x768xf32, #tpu.memory_space<vmem>>
    %dma_start3A_96 = tpu.memref_squeeze %dma_start3A_95 : memref<1x32x768xf32, #tpu.memory_space<vmem>> -> memref<32x768xf32, #tpu.memory_space<vmem>>
    %dma_start3A_97 = arith.constant 0 : i32
    %dma_start3A_98 = tpu.memref_slice %arg5[%dma_start3A_91, %dma_start3A_97] : memref<16x32xi32, #tpu.memory_space<vmem>> -> memref<1x32xi32, #tpu.memory_space<vmem>>
    %dma_start3A_99 = tpu.memref_squeeze %dma_start3A_98 : memref<1x32xi32, #tpu.memory_space<vmem>> -> memref<32xi32, #tpu.memory_space<vmem>>
    %dma_start3A_100 = arith.constant 0 : i32
    %dma_start3A_101 = arith.constant 0 : i32
    %dma_start3A_102 = tpu.memref_slice %arg2[%dma_start3A_100, %dma_start3A_101] : memref<65536x768xf32, #tpu.memory_space<hbm>> -> memref<65536x768xf32, #tpu.memory_space<hbm>>
    tpu.enqueue_indirect_dma source(%dma_start3A_102 : memref<65536x768xf32, #tpu.memory_space<hbm>>) target(%dma_start3A_96 : memref<32x768xf32, #tpu.memory_space<vmem>>) offsets(%dma_start3A_99 : memref<32xi32, #tpu.memory_space<vmem>>) semaphore(%arg10 : memref<!tpu.dma_semaphore, #tpu.memory_space<semaphore_mem>>)
    %dma_wait3A_103 = arith.constant 2 : i32
    %dma_wait3A_104 = arith.constant 2 : i32
    %dma_wait3A_105 = arith.constant 0 : i32
    %dma_wait3A_106 = arith.constant 0 : i32
    %dma_wait3A_107 = tpu.memref_slice %arg6[%dma_wait3A_104, %dma_wait3A_105, %dma_wait3A_106] : memref<4x32x768xf32, #tpu.memory_space<vmem>> -> memref<1x32x768xf32, #tpu.memory_space<vmem>>
    %dma_wait3A_108 = tpu.memref_squeeze %dma_wait3A_107 : memref<1x32x768xf32, #tpu.memory_space<vmem>> -> memref<32x768xf32, #tpu.memory_space<vmem>>
    %dma_wait3A_109 = arith.constant 0 : i32
    %dma_wait3A_110 = tpu.memref_slice %arg5[%dma_wait3A_103, %dma_wait3A_109] : memref<16x32xi32, #tpu.memory_space<vmem>> -> memref<1x32xi32, #tpu.memory_space<vmem>>
    %dma_wait3A_111 = tpu.memref_squeeze %dma_wait3A_110 : memref<1x32xi32, #tpu.memory_space<vmem>> -> memref<32xi32, #tpu.memory_space<vmem>>
    %dma_wait3A_112 = arith.constant 0 : i32
    %dma_wait3A_113 = arith.constant 0 : i32
    %dma_wait3A_114 = tpu.memref_slice %arg2[%dma_wait3A_112, %dma_wait3A_113] : memref<65536x768xf32, #tpu.memory_space<hbm>> -> memref<65536x768xf32, #tpu.memory_space<hbm>>
    tpu.wait_indirect_dma semaphore(%arg9 : memref<!tpu.dma_semaphore, #tpu.memory_space<semaphore_mem>>) src(%dma_wait3A_114 : memref<65536x768xf32, #tpu.memory_space<hbm>>) dst(%dma_wait3A_108 : memref<32x768xf32, #tpu.memory_space<vmem>>)
    %add3A_115 = arith.constant 64 : i32
    %add3A_116 = arith.addi %mul3A_2, %add3A_115 : i32
    %dma_start3A_117 = arith.constant 2 : i32
    %dma_start3A_118 = arith.constant 0 : i32
    %dma_start3A_119 = arith.constant 0 : i32
    %dma_start3A_120 = tpu.memref_slice %arg6[%dma_start3A_117, %dma_start3A_118, %dma_start3A_119] : memref<4x32x768xf32, #tpu.memory_space<vmem>> -> memref<1x32x768xf32, #tpu.memory_space<vmem>>
    %dma_start3A_121 = tpu.memref_squeeze %dma_start3A_120 : memref<1x32x768xf32, #tpu.memory_space<vmem>> -> memref<32x768xf32, #tpu.memory_space<vmem>>
    %dma_start3A_122 = arith.constant 0 : i32
    %dma_start3A_123 = tpu.memref_slice %arg4[%add3A_116, %dma_start3A_122] : memref<16384x768xf32, #tpu.memory_space<hbm>> -> memref<32x768xf32, #tpu.memory_space<hbm>>
    %dma_start3A_124 = arith.constant 0 : i32
    %dma_start3A_125 = tpu.memref_slice %arg4[%add3A_116, %dma_start3A_124] : memref<16384x768xf32, #tpu.memory_space<hbm>> -> memref<32x768xf32, #tpu.memory_space<hbm>>
    %dma_start3A_126 = arith.constant 0 : i32
    %dma_start3A_127 = arith.constant 0 : i32
    %dma_start3A_128 = tpu.memref_slice %arg6[%dma_start3A_117, %dma_start3A_126, %dma_start3A_127] : memref<4x32x768xf32, #tpu.memory_space<vmem>> -> memref<1x32x768xf32, #tpu.memory_space<vmem>>
    %dma_start3A_129 = tpu.memref_squeeze %dma_start3A_128 : memref<1x32x768xf32, #tpu.memory_space<vmem>> -> memref<32x768xf32, #tpu.memory_space<vmem>>
    tpu.enqueue_dma source(%dma_start3A_129 : memref<32x768xf32, #tpu.memory_space<vmem>>) target(%dma_start3A_125 : memref<32x768xf32, #tpu.memory_space<hbm>>) target_semaphore(%arg13 : memref<!tpu.dma_semaphore, #tpu.memory_space<semaphore_mem>>)
    %dma_wait3A_130 = arith.constant 0 : i32
    %dma_wait3A_131 = arith.constant 0 : i32
    %dma_wait3A_132 = arith.constant 0 : i32
    %dma_wait3A_133 = tpu.memref_slice %arg6[%dma_wait3A_130, %dma_wait3A_131, %dma_wait3A_132] : memref<4x32x768xf32, #tpu.memory_space<vmem>> -> memref<1x32x768xf32, #tpu.memory_space<vmem>>
    %dma_wait3A_134 = tpu.memref_squeeze %dma_wait3A_133 : memref<1x32x768xf32, #tpu.memory_space<vmem>> -> memref<32x768xf32, #tpu.memory_space<vmem>>
    %dma_wait3A_135 = arith.constant 0 : i32
    %dma_wait3A_136 = tpu.memref_slice %arg4[%add3A_38, %dma_wait3A_135] : memref<16384x768xf32, #tpu.memory_space<hbm>> -> memref<32x768xf32, #tpu.memory_space<hbm>>
    %dma_wait3A_137 = arith.constant 0 : i32
    %dma_wait3A_138 = tpu.memref_slice %arg4[%add3A_38, %dma_wait3A_137] : memref<16384x768xf32, #tpu.memory_space<hbm>> -> memref<32x768xf32, #tpu.memory_space<hbm>>
    %dma_wait3A_139 = arith.constant 0 : i32
    %dma_wait3A_140 = arith.constant 0 : i32
    %dma_wait3A_141 = tpu.memref_slice %arg6[%dma_wait3A_130, %dma_wait3A_139, %dma_wait3A_140] : memref<4x32x768xf32, #tpu.memory_space<vmem>> -> memref<1x32x768xf32, #tpu.memory_space<vmem>>
    %dma_wait3A_142 = tpu.memref_squeeze %dma_wait3A_141 : memref<1x32x768xf32, #tpu.memory_space<vmem>> -> memref<32x768xf32, #tpu.memory_space<vmem>>
    tpu.wait_dma2 semaphore(%arg11 : memref<!tpu.dma_semaphore, #tpu.memory_space<semaphore_mem>>) src(%dma_wait3A_142 : memref<32x768xf32, #tpu.memory_space<vmem>>) dst(%dma_wait3A_138 : memref<32x768xf32, #tpu.memory_space<hbm>>)
    %dma_start3A_143 = arith.constant 4 : i32
    %dma_start3A_144 = arith.constant 0 : i32
    %dma_start3A_145 = arith.constant 0 : i32
    %dma_start3A_146 = arith.constant 0 : i32
    %dma_start3A_147 = tpu.memref_slice %arg6[%dma_start3A_144, %dma_start3A_145, %dma_start3A_146] : memref<4x32x768xf32, #tpu.memory_space<vmem>> -> memref<1x32x768xf32, #tpu.memory_space<vmem>>
    %dma_start3A_148 = tpu.memref_squeeze %dma_start3A_147 : memref<1x32x768xf32, #tpu.memory_space<vmem>> -> memref<32x768xf32, #tpu.memory_space<vmem>>
    %dma_start3A_149 = arith.constant 0 : i32
    %dma_start3A_150 = tpu.memref_slice %arg5[%dma_start3A_143, %dma_start3A_149] : memref<16x32xi32, #tpu.memory_space<vmem>> -> memref<1x32xi32, #tpu.memory_space<vmem>>
    %dma_start3A_151 = tpu.memref_squeeze %dma_start3A_150 : memref<1x32xi32, #tpu.memory_space<vmem>> -> memref<32xi32, #tpu.memory_space<vmem>>
    %dma_start3A_152 = arith.constant 0 : i32
    %dma_start3A_153 = arith.constant 0 : i32
    %dma_start3A_154 = tpu.memref_slice %arg2[%dma_start3A_152, %dma_start3A_153] : memref<65536x768xf32, #tpu.memory_space<hbm>> -> memref<65536x768xf32, #tpu.memory_space<hbm>>
    tpu.enqueue_indirect_dma source(%dma_start3A_154 : memref<65536x768xf32, #tpu.memory_space<hbm>>) target(%dma_start3A_148 : memref<32x768xf32, #tpu.memory_space<vmem>>) offsets(%dma_start3A_151 : memref<32xi32, #tpu.memory_space<vmem>>) semaphore(%arg7 : memref<!tpu.dma_semaphore, #tpu.memory_space<semaphore_mem>>)
    %dma_wait3A_155 = arith.constant 3 : i32
    %dma_wait3A_156 = arith.constant 3 : i32
    %dma_wait3A_157 = arith.constant 0 : i32
    %dma_wait3A_158 = arith.constant 0 : i32
    %dma_wait3A_159 = tpu.memref_slice %arg6[%dma_wait3A_156, %dma_wait3A_157, %dma_wait3A_158] : memref<4x32x768xf32, #tpu.memory_space<vmem>> -> memref<1x32x768xf32, #tpu.memory_space<vmem>>
    %dma_wait3A_160 = tpu.memref_squeeze %dma_wait3A_159 : memref<1x32x768xf32, #tpu.memory_space<vmem>> -> memref<32x768xf32, #tpu.memory_space<vmem>>
    %dma_wait3A_161 = arith.constant 0 : i32
    %dma_wait3A_162 = tpu.memref_slice %arg5[%dma_wait3A_155, %dma_wait3A_161] : memref<16x32xi32, #tpu.memory_space<vmem>> -> memref<1x32xi32, #tpu.memory_space<vmem>>
    %dma_wait3A_163 = tpu.memref_squeeze %dma_wait3A_162 : memref<1x32xi32, #tpu.memory_space<vmem>> -> memref<32xi32, #tpu.memory_space<vmem>>
    %dma_wait3A_164 = arith.constant 0 : i32
    %dma_wait3A_165 = arith.constant 0 : i32
    %dma_wait3A_166 = tpu.memref_slice %arg2[%dma_wait3A_164, %dma_wait3A_165] : memref<65536x768xf32, #tpu.memory_space<hbm>> -> memref<65536x768xf32, #tpu.memory_space<hbm>>
    tpu.wait_indirect_dma semaphore(%arg10 : memref<!tpu.dma_semaphore, #tpu.memory_space<semaphore_mem>>) src(%dma_wait3A_166 : memref<65536x768xf32, #tpu.memory_space<hbm>>) dst(%dma_wait3A_160 : memref<32x768xf32, #tpu.memory_space<vmem>>)
    %add3A_167 = arith.constant 96 : i32
    %add3A_168 = arith.addi %mul3A_2, %add3A_167 : i32
    %dma_start3A_169 = arith.constant 3 : i32
    %dma_start3A_170 = arith.constant 0 : i32
    %dma_start3A_171 = arith.constant 0 : i32
    %dma_start3A_172 = tpu.memref_slice %arg6[%dma_start3A_169, %dma_start3A_170, %dma_start3A_171] : memref<4x32x768xf32, #tpu.memory_space<vmem>> -> memref<1x32x768xf32, #tpu.memory_space<vmem>>
    %dma_start3A_173 = tpu.memref_squeeze %dma_start3A_172 : memref<1x32x768xf32, #tpu.memory_space<vmem>> -> memref<32x768xf32, #tpu.memory_space<vmem>>
    %dma_start3A_174 = arith.constant 0 : i32
    %dma_start3A_175 = tpu.memref_slice %arg4[%add3A_168, %dma_start3A_174] : memref<16384x768xf32, #tpu.memory_space<hbm>> -> memref<32x768xf32, #tpu.memory_space<hbm>>
    %dma_start3A_176 = arith.constant 0 : i32
    %dma_start3A_177 = tpu.memref_slice %arg4[%add3A_168, %dma_start3A_176] : memref<16384x768xf32, #tpu.memory_space<hbm>> -> memref<32x768xf32, #tpu.memory_space<hbm>>
    %dma_start3A_178 = arith.constant 0 : i32
    %dma_start3A_179 = arith.constant 0 : i32
    %dma_start3A_180 = tpu.memref_slice %arg6[%dma_start3A_169, %dma_start3A_178, %dma_start3A_179] : memref<4x32x768xf32, #tpu.memory_space<vmem>> -> memref<1x32x768xf32, #tpu.memory_space<vmem>>
    %dma_start3A_181 = tpu.memref_squeeze %dma_start3A_180 : memref<1x32x768xf32, #tpu.memory_space<vmem>> -> memref<32x768xf32, #tpu.memory_space<vmem>>
    tpu.enqueue_dma source(%dma_start3A_181 : memref<32x768xf32, #tpu.memory_space<vmem>>) target(%dma_start3A_177 : memref<32x768xf32, #tpu.memory_space<hbm>>) target_semaphore(%arg14 : memref<!tpu.dma_semaphore, #tpu.memory_space<semaphore_mem>>)
    %dma_wait3A_182 = arith.constant 1 : i32
    %dma_wait3A_183 = arith.constant 0 : i32
    %dma_wait3A_184 = arith.constant 0 : i32
    %dma_wait3A_185 = tpu.memref_slice %arg6[%dma_wait3A_182, %dma_wait3A_183, %dma_wait3A_184] : memref<4x32x768xf32, #tpu.memory_space<vmem>> -> memref<1x32x768xf32, #tpu.memory_space<vmem>>
    %dma_wait3A_186 = tpu.memref_squeeze %dma_wait3A_185 : memref<1x32x768xf32, #tpu.memory_space<vmem>> -> memref<32x768xf32, #tpu.memory_space<vmem>>
    %dma_wait3A_187 = arith.constant 0 : i32
    %dma_wait3A_188 = tpu.memref_slice %arg4[%add3A_77, %dma_wait3A_187] : memref<16384x768xf32, #tpu.memory_space<hbm>> -> memref<32x768xf32, #tpu.memory_space<hbm>>
    %dma_wait3A_189 = arith.constant 0 : i32
    %dma_wait3A_190 = tpu.memref_slice %arg4[%add3A_77, %dma_wait3A_189] : memref<16384x768xf32, #tpu.memory_space<hbm>> -> memref<32x768xf32, #tpu.memory_space<hbm>>
    %dma_wait3A_191 = arith.constant 0 : i32
    %dma_wait3A_192 = arith.constant 0 : i32
    %dma_wait3A_193 = tpu.memref_slice %arg6[%dma_wait3A_182, %dma_wait3A_191, %dma_wait3A_192] : memref<4x32x768xf32, #tpu.memory_space<vmem>> -> memref<1x32x768xf32, #tpu.memory_space<vmem>>
    %dma_wait3A_194 = tpu.memref_squeeze %dma_wait3A_193 : memref<1x32x768xf32, #tpu.memory_space<vmem>> -> memref<32x768xf32, #tpu.memory_space<vmem>>
    tpu.wait_dma2 semaphore(%arg12 : memref<!tpu.dma_semaphore, #tpu.memory_space<semaphore_mem>>) src(%dma_wait3A_194 : memref<32x768xf32, #tpu.memory_space<vmem>>) dst(%dma_wait3A_190 : memref<32x768xf32, #tpu.memory_space<hbm>>)
    %dma_start3A_195 = arith.constant 5 : i32
    %dma_start3A_196 = arith.constant 1 : i32
    %dma_start3A_197 = arith.constant 0 : i32
    %dma_start3A_198 = arith.constant 0 : i32
    %dma_start3A_199 = tpu.memref_slice %arg6[%dma_start3A_196, %dma_start3A_197, %dma_start3A_198] : memref<4x32x768xf32, #tpu.memory_space<vmem>> -> memref<1x32x768xf32, #tpu.memory_space<vmem>>
    %dma_start3A_200 = tpu.memref_squeeze %dma_start3A_199 : memref<1x32x768xf32, #tpu.memory_space<vmem>> -> memref<32x768xf32, #tpu.memory_space<vmem>>
    %dma_start3A_201 = arith.constant 0 : i32
    %dma_start3A_202 = tpu.memref_slice %arg5[%dma_start3A_195, %dma_start3A_201] : memref<16x32xi32, #tpu.memory_space<vmem>> -> memref<1x32xi32, #tpu.memory_space<vmem>>
    %dma_start3A_203 = tpu.memref_squeeze %dma_start3A_202 : memref<1x32xi32, #tpu.memory_space<vmem>> -> memref<32xi32, #tpu.memory_space<vmem>>
    %dma_start3A_204 = arith.constant 0 : i32
    %dma_start3A_205 = arith.constant 0 : i32
    %dma_start3A_206 = tpu.memref_slice %arg2[%dma_start3A_204, %dma_start3A_205] : memref<65536x768xf32, #tpu.memory_space<hbm>> -> memref<65536x768xf32, #tpu.memory_space<hbm>>
    tpu.enqueue_indirect_dma source(%dma_start3A_206 : memref<65536x768xf32, #tpu.memory_space<hbm>>) target(%dma_start3A_200 : memref<32x768xf32, #tpu.memory_space<vmem>>) offsets(%dma_start3A_203 : memref<32xi32, #tpu.memory_space<vmem>>) semaphore(%arg8 : memref<!tpu.dma_semaphore, #tpu.memory_space<semaphore_mem>>)
    %dma_wait3A_207 = arith.constant 4 : i32
    %dma_wait3A_208 = arith.constant 0 : i32
    %dma_wait3A_209 = arith.constant 0 : i32
    %dma_wait3A_210 = arith.constant 0 : i32
    %dma_wait3A_211 = tpu.memref_slice %arg6[%dma_wait3A_208, %dma_wait3A_209, %dma_wait3A_210] : memref<4x32x768xf32, #tpu.memory_space<vmem>> -> memref<1x32x768xf32, #tpu.memory_space<vmem>>
    %dma_wait3A_212 = tpu.memref_squeeze %dma_wait3A_211 : memref<1x32x768xf32, #tpu.memory_space<vmem>> -> memref<32x768xf32, #tpu.memory_space<vmem>>
    %dma_wait3A_213 = arith.constant 0 : i32
    %dma_wait3A_214 = tpu.memref_slice %arg5[%dma_wait3A_207, %dma_wait3A_213] : memref<16x32xi32, #tpu.memory_space<vmem>> -> memref<1x32xi32, #tpu.memory_space<vmem>>
    %dma_wait3A_215 = tpu.memref_squeeze %dma_wait3A_214 : memref<1x32xi32, #tpu.memory_space<vmem>> -> memref<32xi32, #tpu.memory_space<vmem>>
    %dma_wait3A_216 = arith.constant 0 : i32
    %dma_wait3A_217 = arith.constant 0 : i32
    %dma_wait3A_218 = tpu.memref_slice %arg2[%dma_wait3A_216, %dma_wait3A_217] : memref<65536x768xf32, #tpu.memory_space<hbm>> -> memref<65536x768xf32, #tpu.memory_space<hbm>>
    tpu.wait_indirect_dma semaphore(%arg7 : memref<!tpu.dma_semaphore, #tpu.memory_space<semaphore_mem>>) src(%dma_wait3A_218 : memref<65536x768xf32, #tpu.memory_space<hbm>>) dst(%dma_wait3A_212 : memref<32x768xf32, #tpu.memory_space<vmem>>)
    %add3A_219 = arith.constant 128 : i32
    %add3A_220 = arith.addi %mul3A_2, %add3A_219 : i32
    %dma_start3A_221 = arith.constant 0 : i32
    %dma_start3A_222 = arith.constant 0 : i32
    %dma_start3A_223 = arith.constant 0 : i32
    %dma_start3A_224 = tpu.memref_slice %arg6[%dma_start3A_221, %dma_start3A_222, %dma_start3A_223] : memref<4x32x768xf32, #tpu.memory_space<vmem>> -> memref<1x32x768xf32, #tpu.memory_space<vmem>>
    %dma_start3A_225 = tpu.memref_squeeze %dma_start3A_224 : memref<1x32x768xf32, #tpu.memory_space<vmem>> -> memref<32x768xf32, #tpu.memory_space<vmem>>
    %dma_start3A_226 = arith.constant 0 : i32
    %dma_start3A_227 = tpu.memref_slice %arg4[%add3A_220, %dma_start3A_226] : memref<16384x768xf32, #tpu.memory_space<hbm>> -> memref<32x768xf32, #tpu.memory_space<hbm>>
    %dma_start3A_228 = arith.constant 0 : i32
    %dma_start3A_229 = tpu.memref_slice %arg4[%add3A_220, %dma_start3A_228] : memref<16384x768xf32, #tpu.memory_space<hbm>> -> memref<32x768xf32, #tpu.memory_space<hbm>>
    %dma_start3A_230 = arith.constant 0 : i32
    %dma_start3A_231 = arith.constant 0 : i32
    %dma_start3A_232 = tpu.memref_slice %arg6[%dma_start3A_221, %dma_start3A_230, %dma_start3A_231] : memref<4x32x768xf32, #tpu.memory_space<vmem>> -> memref<1x32x768xf32, #tpu.memory_space<vmem>>
    %dma_start3A_233 = tpu.memref_squeeze %dma_start3A_232 : memref<1x32x768xf32, #tpu.memory_space<vmem>> -> memref<32x768xf32, #tpu.memory_space<vmem>>
    tpu.enqueue_dma source(%dma_start3A_233 : memref<32x768xf32, #tpu.memory_space<vmem>>) target(%dma_start3A_229 : memref<32x768xf32, #tpu.memory_space<hbm>>) target_semaphore(%arg11 : memref<!tpu.dma_semaphore, #tpu.memory_space<semaphore_mem>>)
    %dma_wait3A_234 = arith.constant 2 : i32
    %dma_wait3A_235 = arith.constant 0 : i32
    %dma_wait3A_236 = arith.constant 0 : i32
    %dma_wait3A_237 = tpu.memref_slice %arg6[%dma_wait3A_234, %dma_wait3A_235, %dma_wait3A_236] : memref<4x32x768xf32, #tpu.memory_space<vmem>> -> memref<1x32x768xf32, #tpu.memory_space<vmem>>
    %dma_wait3A_238 = tpu.memref_squeeze %dma_wait3A_237 : memref<1x32x768xf32, #tpu.memory_space<vmem>> -> memref<32x768xf32, #tpu.memory_space<vmem>>
    %dma_wait3A_239 = arith.constant 0 : i32
    %dma_wait3A_240 = tpu.memref_slice %arg4[%add3A_116, %dma_wait3A_239] : memref<16384x768xf32, #tpu.memory_space<hbm>> -> memref<32x768xf32, #tpu.memory_space<hbm>>
    %dma_wait3A_241 = arith.constant 0 : i32
    %dma_wait3A_242 = tpu.memref_slice %arg4[%add3A_116, %dma_wait3A_241] : memref<16384x768xf32, #tpu.memory_space<hbm>> -> memref<32x768xf32, #tpu.memory_space<hbm>>
    %dma_wait3A_243 = arith.constant 0 : i32
    %dma_wait3A_244 = arith.constant 0 : i32
    %dma_wait3A_245 = tpu.memref_slice %arg6[%dma_wait3A_234, %dma_wait3A_243, %dma_wait3A_244] : memref<4x32x768xf32, #tpu.memory_space<vmem>> -> memref<1x32x768xf32, #tpu.memory_space<vmem>>
    %dma_wait3A_246 = tpu.memref_squeeze %dma_wait3A_245 : memref<1x32x768xf32, #tpu.memory_space<vmem>> -> memref<32x768xf32, #tpu.memory_space<vmem>>
    tpu.wait_dma2 semaphore(%arg13 : memref<!tpu.dma_semaphore, #tpu.memory_space<semaphore_mem>>) src(%dma_wait3A_246 : memref<32x768xf32, #tpu.memory_space<vmem>>) dst(%dma_wait3A_242 : memref<32x768xf32, #tpu.memory_space<hbm>>)
    %dma_start3A_247 = arith.constant 6 : i32
    %dma_start3A_248 = arith.constant 2 : i32
    %dma_start3A_249 = arith.constant 0 : i32
    %dma_start3A_250 = arith.constant 0 : i32
    %dma_start3A_251 = tpu.memref_slice %arg6[%dma_start3A_248, %dma_start3A_249, %dma_start3A_250] : memref<4x32x768xf32, #tpu.memory_space<vmem>> -> memref<1x32x768xf32, #tpu.memory_space<vmem>>
    %dma_start3A_252 = tpu.memref_squeeze %dma_start3A_251 : memref<1x32x768xf32, #tpu.memory_space<vmem>> -> memref<32x768xf32, #tpu.memory_space<vmem>>
    %dma_start3A_253 = arith.constant 0 : i32
    %dma_start3A_254 = tpu.memref_slice %arg5[%dma_start3A_247, %dma_start3A_253] : memref<16x32xi32, #tpu.memory_space<vmem>> -> memref<1x32xi32, #tpu.memory_space<vmem>>
    %dma_start3A_255 = tpu.memref_squeeze %dma_start3A_254 : memref<1x32xi32, #tpu.memory_space<vmem>> -> memref<32xi32, #tpu.memory_space<vmem>>
    %dma_start3A_256 = arith.constant 0 : i32
    %dma_start3A_257 = arith.constant 0 : i32
    %dma_start3A_258 = tpu.memref_slice %arg2[%dma_start3A_256, %dma_start3A_257] : memref<65536x768xf32, #tpu.memory_space<hbm>> -> memref<65536x768xf32, #tpu.memory_space<hbm>>
    tpu.enqueue_indirect_dma source(%dma_start3A_258 : memref<65536x768xf32, #tpu.memory_space<hbm>>) target(%dma_start3A_252 : memref<32x768xf32, #tpu.memory_space<vmem>>) offsets(%dma_start3A_255 : memref<32xi32, #tpu.memory_space<vmem>>) semaphore(%arg9 : memref<!tpu.dma_semaphore, #tpu.memory_space<semaphore_mem>>)
    %dma_wait3A_259 = arith.constant 5 : i32
    %dma_wait3A_260 = arith.constant 1 : i32
    %dma_wait3A_261 = arith.constant 0 : i32
    %dma_wait3A_262 = arith.constant 0 : i32
    %dma_wait3A_263 = tpu.memref_slice %arg6[%dma_wait3A_260, %dma_wait3A_261, %dma_wait3A_262] : memref<4x32x768xf32, #tpu.memory_space<vmem>> -> memref<1x32x768xf32, #tpu.memory_space<vmem>>
    %dma_wait3A_264 = tpu.memref_squeeze %dma_wait3A_263 : memref<1x32x768xf32, #tpu.memory_space<vmem>> -> memref<32x768xf32, #tpu.memory_space<vmem>>
    %dma_wait3A_265 = arith.constant 0 : i32
    %dma_wait3A_266 = tpu.memref_slice %arg5[%dma_wait3A_259, %dma_wait3A_265] : memref<16x32xi32, #tpu.memory_space<vmem>> -> memref<1x32xi32, #tpu.memory_space<vmem>>
    %dma_wait3A_267 = tpu.memref_squeeze %dma_wait3A_266 : memref<1x32xi32, #tpu.memory_space<vmem>> -> memref<32xi32, #tpu.memory_space<vmem>>
    %dma_wait3A_268 = arith.constant 0 : i32
    %dma_wait3A_269 = arith.constant 0 : i32
    %dma_wait3A_270 = tpu.memref_slice %arg2[%dma_wait3A_268, %dma_wait3A_269] : memref<65536x768xf32, #tpu.memory_space<hbm>> -> memref<65536x768xf32, #tpu.memory_space<hbm>>
    tpu.wait_indirect_dma semaphore(%arg8 : memref<!tpu.dma_semaphore, #tpu.memory_space<semaphore_mem>>) src(%dma_wait3A_270 : memref<65536x768xf32, #tpu.memory_space<hbm>>) dst(%dma_wait3A_264 : memref<32x768xf32, #tpu.memory_space<vmem>>)
    %add3A_271 = arith.constant 160 : i32
    %add3A_272 = arith.addi %mul3A_2, %add3A_271 : i32
    %dma_start3A_273 = arith.constant 1 : i32
    %dma_start3A_274 = arith.constant 0 : i32
    %dma_start3A_275 = arith.constant 0 : i32
    %dma_start3A_276 = tpu.memref_slice %arg6[%dma_start3A_273, %dma_start3A_274, %dma_start3A_275] : memref<4x32x768xf32, #tpu.memory_space<vmem>> -> memref<1x32x768xf32, #tpu.memory_space<vmem>>
    %dma_start3A_277 = tpu.memref_squeeze %dma_start3A_276 : memref<1x32x768xf32, #tpu.memory_space<vmem>> -> memref<32x768xf32, #tpu.memory_space<vmem>>
    %dma_start3A_278 = arith.constant 0 : i32
    %dma_start3A_279 = tpu.memref_slice %arg4[%add3A_272, %dma_start3A_278] : memref<16384x768xf32, #tpu.memory_space<hbm>> -> memref<32x768xf32, #tpu.memory_space<hbm>>
    %dma_start3A_280 = arith.constant 0 : i32
    %dma_start3A_281 = tpu.memref_slice %arg4[%add3A_272, %dma_start3A_280] : memref<16384x768xf32, #tpu.memory_space<hbm>> -> memref<32x768xf32, #tpu.memory_space<hbm>>
    %dma_start3A_282 = arith.constant 0 : i32
    %dma_start3A_283 = arith.constant 0 : i32
    %dma_start3A_284 = tpu.memref_slice %arg6[%dma_start3A_273, %dma_start3A_282, %dma_start3A_283] : memref<4x32x768xf32, #tpu.memory_space<vmem>> -> memref<1x32x768xf32, #tpu.memory_space<vmem>>
    %dma_start3A_285 = tpu.memref_squeeze %dma_start3A_284 : memref<1x32x768xf32, #tpu.memory_space<vmem>> -> memref<32x768xf32, #tpu.memory_space<vmem>>
    tpu.enqueue_dma source(%dma_start3A_285 : memref<32x768xf32, #tpu.memory_space<vmem>>) target(%dma_start3A_281 : memref<32x768xf32, #tpu.memory_space<hbm>>) target_semaphore(%arg12 : memref<!tpu.dma_semaphore, #tpu.memory_space<semaphore_mem>>)
    %dma_wait3A_286 = arith.constant 3 : i32
    %dma_wait3A_287 = arith.constant 0 : i32
    %dma_wait3A_288 = arith.constant 0 : i32
    %dma_wait3A_289 = tpu.memref_slice %arg6[%dma_wait3A_286, %dma_wait3A_287, %dma_wait3A_288] : memref<4x32x768xf32, #tpu.memory_space<vmem>> -> memref<1x32x768xf32, #tpu.memory_space<vmem>>
    %dma_wait3A_290 = tpu.memref_squeeze %dma_wait3A_289 : memref<1x32x768xf32, #tpu.memory_space<vmem>> -> memref<32x768xf32, #tpu.memory_space<vmem>>
    %dma_wait3A_291 = arith.constant 0 : i32
    %dma_wait3A_292 = tpu.memref_slice %arg4[%add3A_168, %dma_wait3A_291] : memref<16384x768xf32, #tpu.memory_space<hbm>> -> memref<32x768xf32, #tpu.memory_space<hbm>>
    %dma_wait3A_293 = arith.constant 0 : i32
    %dma_wait3A_294 = tpu.memref_slice %arg4[%add3A_168, %dma_wait3A_293] : memref<16384x768xf32, #tpu.memory_space<hbm>> -> memref<32x768xf32, #tpu.memory_space<hbm>>
    %dma_wait3A_295 = arith.constant 0 : i32
    %dma_wait3A_296 = arith.constant 0 : i32
    %dma_wait3A_297 = tpu.memref_slice %arg6[%dma_wait3A_286, %dma_wait3A_295, %dma_wait3A_296] : memref<4x32x768xf32, #tpu.memory_space<vmem>> -> memref<1x32x768xf32, #tpu.memory_space<vmem>>
    %dma_wait3A_298 = tpu.memref_squeeze %dma_wait3A_297 : memref<1x32x768xf32, #tpu.memory_space<vmem>> -> memref<32x768xf32, #tpu.memory_space<vmem>>
    tpu.wait_dma2 semaphore(%arg14 : memref<!tpu.dma_semaphore, #tpu.memory_space<semaphore_mem>>) src(%dma_wait3A_298 : memref<32x768xf32, #tpu.memory_space<vmem>>) dst(%dma_wait3A_294 : memref<32x768xf32, #tpu.memory_space<hbm>>)
    %dma_start3A_299 = arith.constant 7 : i32
    %dma_start3A_300 = arith.constant 3 : i32
    %dma_start3A_301 = arith.constant 0 : i32
    %dma_start3A_302 = arith.constant 0 : i32
    %dma_start3A_303 = tpu.memref_slice %arg6[%dma_start3A_300, %dma_start3A_301, %dma_start3A_302] : memref<4x32x768xf32, #tpu.memory_space<vmem>> -> memref<1x32x768xf32, #tpu.memory_space<vmem>>
    %dma_start3A_304 = tpu.memref_squeeze %dma_start3A_303 : memref<1x32x768xf32, #tpu.memory_space<vmem>> -> memref<32x768xf32, #tpu.memory_space<vmem>>
    %dma_start3A_305 = arith.constant 0 : i32
    %dma_start3A_306 = tpu.memref_slice %arg5[%dma_start3A_299, %dma_start3A_305] : memref<16x32xi32, #tpu.memory_space<vmem>> -> memref<1x32xi32, #tpu.memory_space<vmem>>
    %dma_start3A_307 = tpu.memref_squeeze %dma_start3A_306 : memref<1x32xi32, #tpu.memory_space<vmem>> -> memref<32xi32, #tpu.memory_space<vmem>>
    %dma_start3A_308 = arith.constant 0 : i32
    %dma_start3A_309 = arith.constant 0 : i32
    %dma_start3A_310 = tpu.memref_slice %arg2[%dma_start3A_308, %dma_start3A_309] : memref<65536x768xf32, #tpu.memory_space<hbm>> -> memref<65536x768xf32, #tpu.memory_space<hbm>>
    tpu.enqueue_indirect_dma source(%dma_start3A_310 : memref<65536x768xf32, #tpu.memory_space<hbm>>) target(%dma_start3A_304 : memref<32x768xf32, #tpu.memory_space<vmem>>) offsets(%dma_start3A_307 : memref<32xi32, #tpu.memory_space<vmem>>) semaphore(%arg10 : memref<!tpu.dma_semaphore, #tpu.memory_space<semaphore_mem>>)
    %dma_wait3A_311 = arith.constant 6 : i32
    %dma_wait3A_312 = arith.constant 2 : i32
    %dma_wait3A_313 = arith.constant 0 : i32
    %dma_wait3A_314 = arith.constant 0 : i32
    %dma_wait3A_315 = tpu.memref_slice %arg6[%dma_wait3A_312, %dma_wait3A_313, %dma_wait3A_314] : memref<4x32x768xf32, #tpu.memory_space<vmem>> -> memref<1x32x768xf32, #tpu.memory_space<vmem>>
    %dma_wait3A_316 = tpu.memref_squeeze %dma_wait3A_315 : memref<1x32x768xf32, #tpu.memory_space<vmem>> -> memref<32x768xf32, #tpu.memory_space<vmem>>
    %dma_wait3A_317 = arith.constant 0 : i32
    %dma_wait3A_318 = tpu.memref_slice %arg5[%dma_wait3A_311, %dma_wait3A_317] : memref<16x32xi32, #tpu.memory_space<vmem>> -> memref<1x32xi32, #tpu.memory_space<vmem>>
    %dma_wait3A_319 = tpu.memref_squeeze %dma_wait3A_318 : memref<1x32xi32, #tpu.memory_space<vmem>> -> memref<32xi32, #tpu.memory_space<vmem>>
    %dma_wait3A_320 = arith.constant 0 : i32
    %dma_wait3A_321 = arith.constant 0 : i32
    %dma_wait3A_322 = tpu.memref_slice %arg2[%dma_wait3A_320, %dma_wait3A_321] : memref<65536x768xf32, #tpu.memory_space<hbm>> -> memref<65536x768xf32, #tpu.memory_space<hbm>>
    tpu.wait_indirect_dma semaphore(%arg9 : memref<!tpu.dma_semaphore, #tpu.memory_space<semaphore_mem>>) src(%dma_wait3A_322 : memref<65536x768xf32, #tpu.memory_space<hbm>>) dst(%dma_wait3A_316 : memref<32x768xf32, #tpu.memory_space<vmem>>)
    %add3A_323 = arith.constant 192 : i32
    %add3A_324 = arith.addi %mul3A_2, %add3A_323 : i32
    %dma_start3A_325 = arith.constant 2 : i32
    %dma_start3A_326 = arith.constant 0 : i32
    %dma_start3A_327 = arith.constant 0 : i32
    %dma_start3A_328 = tpu.memref_slice %arg6[%dma_start3A_325, %dma_start3A_326, %dma_start3A_327] : memref<4x32x768xf32, #tpu.memory_space<vmem>> -> memref<1x32x768xf32, #tpu.memory_space<vmem>>
    %dma_start3A_329 = tpu.memref_squeeze %dma_start3A_328 : memref<1x32x768xf32, #tpu.memory_space<vmem>> -> memref<32x768xf32, #tpu.memory_space<vmem>>
    %dma_start3A_330 = arith.constant 0 : i32
    %dma_start3A_331 = tpu.memref_slice %arg4[%add3A_324, %dma_start3A_330] : memref<16384x768xf32, #tpu.memory_space<hbm>> -> memref<32x768xf32, #tpu.memory_space<hbm>>
    %dma_start3A_332 = arith.constant 0 : i32
    %dma_start3A_333 = tpu.memref_slice %arg4[%add3A_324, %dma_start3A_332] : memref<16384x768xf32, #tpu.memory_space<hbm>> -> memref<32x768xf32, #tpu.memory_space<hbm>>
    %dma_start3A_334 = arith.constant 0 : i32
    %dma_start3A_335 = arith.constant 0 : i32
    %dma_start3A_336 = tpu.memref_slice %arg6[%dma_start3A_325, %dma_start3A_334, %dma_start3A_335] : memref<4x32x768xf32, #tpu.memory_space<vmem>> -> memref<1x32x768xf32, #tpu.memory_space<vmem>>
    %dma_start3A_337 = tpu.memref_squeeze %dma_start3A_336 : memref<1x32x768xf32, #tpu.memory_space<vmem>> -> memref<32x768xf32, #tpu.memory_space<vmem>>
    tpu.enqueue_dma source(%dma_start3A_337 : memref<32x768xf32, #tpu.memory_space<vmem>>) target(%dma_start3A_333 : memref<32x768xf32, #tpu.memory_space<hbm>>) target_semaphore(%arg13 : memref<!tpu.dma_semaphore, #tpu.memory_space<semaphore_mem>>)
    %dma_wait3A_338 = arith.constant 0 : i32
    %dma_wait3A_339 = arith.constant 0 : i32
    %dma_wait3A_340 = arith.constant 0 : i32
    %dma_wait3A_341 = tpu.memref_slice %arg6[%dma_wait3A_338, %dma_wait3A_339, %dma_wait3A_340] : memref<4x32x768xf32, #tpu.memory_space<vmem>> -> memref<1x32x768xf32, #tpu.memory_space<vmem>>
    %dma_wait3A_342 = tpu.memref_squeeze %dma_wait3A_341 : memref<1x32x768xf32, #tpu.memory_space<vmem>> -> memref<32x768xf32, #tpu.memory_space<vmem>>
    %dma_wait3A_343 = arith.constant 0 : i32
    %dma_wait3A_344 = tpu.memref_slice %arg4[%add3A_220, %dma_wait3A_343] : memref<16384x768xf32, #tpu.memory_space<hbm>> -> memref<32x768xf32, #tpu.memory_space<hbm>>
    %dma_wait3A_345 = arith.constant 0 : i32
    %dma_wait3A_346 = tpu.memref_slice %arg4[%add3A_220, %dma_wait3A_345] : memref<16384x768xf32, #tpu.memory_space<hbm>> -> memref<32x768xf32, #tpu.memory_space<hbm>>
    %dma_wait3A_347 = arith.constant 0 : i32
    %dma_wait3A_348 = arith.constant 0 : i32
    %dma_wait3A_349 = tpu.memref_slice %arg6[%dma_wait3A_338, %dma_wait3A_347, %dma_wait3A_348] : memref<4x32x768xf32, #tpu.memory_space<vmem>> -> memref<1x32x768xf32, #tpu.memory_space<vmem>>
    %dma_wait3A_350 = tpu.memref_squeeze %dma_wait3A_349 : memref<1x32x768xf32, #tpu.memory_space<vmem>> -> memref<32x768xf32, #tpu.memory_space<vmem>>
    tpu.wait_dma2 semaphore(%arg11 : memref<!tpu.dma_semaphore, #tpu.memory_space<semaphore_mem>>) src(%dma_wait3A_350 : memref<32x768xf32, #tpu.memory_space<vmem>>) dst(%dma_wait3A_346 : memref<32x768xf32, #tpu.memory_space<hbm>>)
    %dma_start3A_351 = arith.constant 8 : i32
    %dma_start3A_352 = arith.constant 0 : i32
    %dma_start3A_353 = arith.constant 0 : i32
    %dma_start3A_354 = arith.constant 0 : i32
    %dma_start3A_355 = tpu.memref_slice %arg6[%dma_start3A_352, %dma_start3A_353, %dma_start3A_354] : memref<4x32x768xf32, #tpu.memory_space<vmem>> -> memref<1x32x768xf32, #tpu.memory_space<vmem>>
    %dma_start3A_356 = tpu.memref_squeeze %dma_start3A_355 : memref<1x32x768xf32, #tpu.memory_space<vmem>> -> memref<32x768xf32, #tpu.memory_space<vmem>>
    %dma_start3A_357 = arith.constant 0 : i32
    %dma_start3A_358 = tpu.memref_slice %arg5[%dma_start3A_351, %dma_start3A_357] : memref<16x32xi32, #tpu.memory_space<vmem>> -> memref<1x32xi32, #tpu.memory_space<vmem>>
    %dma_start3A_359 = tpu.memref_squeeze %dma_start3A_358 : memref<1x32xi32, #tpu.memory_space<vmem>> -> memref<32xi32, #tpu.memory_space<vmem>>
    %dma_start3A_360 = arith.constant 0 : i32
    %dma_start3A_361 = arith.constant 0 : i32
    %dma_start3A_362 = tpu.memref_slice %arg2[%dma_start3A_360, %dma_start3A_361] : memref<65536x768xf32, #tpu.memory_space<hbm>> -> memref<65536x768xf32, #tpu.memory_space<hbm>>
    tpu.enqueue_indirect_dma source(%dma_start3A_362 : memref<65536x768xf32, #tpu.memory_space<hbm>>) target(%dma_start3A_356 : memref<32x768xf32, #tpu.memory_space<vmem>>) offsets(%dma_start3A_359 : memref<32xi32, #tpu.memory_space<vmem>>) semaphore(%arg7 : memref<!tpu.dma_semaphore, #tpu.memory_space<semaphore_mem>>)
    %dma_wait3A_363 = arith.constant 7 : i32
    %dma_wait3A_364 = arith.constant 3 : i32
    %dma_wait3A_365 = arith.constant 0 : i32
    %dma_wait3A_366 = arith.constant 0 : i32
    %dma_wait3A_367 = tpu.memref_slice %arg6[%dma_wait3A_364, %dma_wait3A_365, %dma_wait3A_366] : memref<4x32x768xf32, #tpu.memory_space<vmem>> -> memref<1x32x768xf32, #tpu.memory_space<vmem>>
    %dma_wait3A_368 = tpu.memref_squeeze %dma_wait3A_367 : memref<1x32x768xf32, #tpu.memory_space<vmem>> -> memref<32x768xf32, #tpu.memory_space<vmem>>
    %dma_wait3A_369 = arith.constant 0 : i32
    %dma_wait3A_370 = tpu.memref_slice %arg5[%dma_wait3A_363, %dma_wait3A_369] : memref<16x32xi32, #tpu.memory_space<vmem>> -> memref<1x32xi32, #tpu.memory_space<vmem>>
    %dma_wait3A_371 = tpu.memref_squeeze %dma_wait3A_370 : memref<1x32xi32, #tpu.memory_space<vmem>> -> memref<32xi32, #tpu.memory_space<vmem>>
    %dma_wait3A_372 = arith.constant 0 : i32
    %dma_wait3A_373 = arith.constant 0 : i32
    %dma_wait3A_374 = tpu.memref_slice %arg2[%dma_wait3A_372, %dma_wait3A_373] : memref<65536x768xf32, #tpu.memory_space<hbm>> -> memref<65536x768xf32, #tpu.memory_space<hbm>>
    tpu.wait_indirect_dma semaphore(%arg10 : memref<!tpu.dma_semaphore, #tpu.memory_space<semaphore_mem>>) src(%dma_wait3A_374 : memref<65536x768xf32, #tpu.memory_space<hbm>>) dst(%dma_wait3A_368 : memref<32x768xf32, #tpu.memory_space<vmem>>)
    %add3A_375 = arith.constant 224 : i32
    %add3A_376 = arith.addi %mul3A_2, %add3A_375 : i32
    %dma_start3A_377 = arith.constant 3 : i32
    %dma_start3A_378 = arith.constant 0 : i32
    %dma_start3A_379 = arith.constant 0 : i32
    %dma_start3A_380 = tpu.memref_slice %arg6[%dma_start3A_377, %dma_start3A_378, %dma_start3A_379] : memref<4x32x768xf32, #tpu.memory_space<vmem>> -> memref<1x32x768xf32, #tpu.memory_space<vmem>>
    %dma_start3A_381 = tpu.memref_squeeze %dma_start3A_380 : memref<1x32x768xf32, #tpu.memory_space<vmem>> -> memref<32x768xf32, #tpu.memory_space<vmem>>
    %dma_start3A_382 = arith.constant 0 : i32
    %dma_start3A_383 = tpu.memref_slice %arg4[%add3A_376, %dma_start3A_382] : memref<16384x768xf32, #tpu.memory_space<hbm>> -> memref<32x768xf32, #tpu.memory_space<hbm>>
    %dma_start3A_384 = arith.constant 0 : i32
    %dma_start3A_385 = tpu.memref_slice %arg4[%add3A_376, %dma_start3A_384] : memref<16384x768xf32, #tpu.memory_space<hbm>> -> memref<32x768xf32, #tpu.memory_space<hbm>>
    %dma_start3A_386 = arith.constant 0 : i32
    %dma_start3A_387 = arith.constant 0 : i32
    %dma_start3A_388 = tpu.memref_slice %arg6[%dma_start3A_377, %dma_start3A_386, %dma_start3A_387] : memref<4x32x768xf32, #tpu.memory_space<vmem>> -> memref<1x32x768xf32, #tpu.memory_space<vmem>>
    %dma_start3A_389 = tpu.memref_squeeze %dma_start3A_388 : memref<1x32x768xf32, #tpu.memory_space<vmem>> -> memref<32x768xf32, #tpu.memory_space<vmem>>
    tpu.enqueue_dma source(%dma_start3A_389 : memref<32x768xf32, #tpu.memory_space<vmem>>) target(%dma_start3A_385 : memref<32x768xf32, #tpu.memory_space<hbm>>) target_semaphore(%arg14 : memref<!tpu.dma_semaphore, #tpu.memory_space<semaphore_mem>>)
    %dma_wait3A_390 = arith.constant 1 : i32
    %dma_wait3A_391 = arith.constant 0 : i32
    %dma_wait3A_392 = arith.constant 0 : i32
    %dma_wait3A_393 = tpu.memref_slice %arg6[%dma_wait3A_390, %dma_wait3A_391, %dma_wait3A_392] : memref<4x32x768xf32, #tpu.memory_space<vmem>> -> memref<1x32x768xf32, #tpu.memory_space<vmem>>
    %dma_wait3A_394 = tpu.memref_squeeze %dma_wait3A_393 : memref<1x32x768xf32, #tpu.memory_space<vmem>> -> memref<32x768xf32, #tpu.memory_space<vmem>>
    %dma_wait3A_395 = arith.constant 0 : i32
    %dma_wait3A_396 = tpu.memref_slice %arg4[%add3A_272, %dma_wait3A_395] : memref<16384x768xf32, #tpu.memory_space<hbm>> -> memref<32x768xf32, #tpu.memory_space<hbm>>
    %dma_wait3A_397 = arith.constant 0 : i32
    %dma_wait3A_398 = tpu.memref_slice %arg4[%add3A_272, %dma_wait3A_397] : memref<16384x768xf32, #tpu.memory_space<hbm>> -> memref<32x768xf32, #tpu.memory_space<hbm>>
    %dma_wait3A_399 = arith.constant 0 : i32
    %dma_wait3A_400 = arith.constant 0 : i32
    %dma_wait3A_401 = tpu.memref_slice %arg6[%dma_wait3A_390, %dma_wait3A_399, %dma_wait3A_400] : memref<4x32x768xf32, #tpu.memory_space<vmem>> -> memref<1x32x768xf32, #tpu.memory_space<vmem>>
    %dma_wait3A_402 = tpu.memref_squeeze %dma_wait3A_401 : memref<1x32x768xf32, #tpu.memory_space<vmem>> -> memref<32x768xf32, #tpu.memory_space<vmem>>
    tpu.wait_dma2 semaphore(%arg12 : memref<!tpu.dma_semaphore, #tpu.memory_space<semaphore_mem>>) src(%dma_wait3A_402 : memref<32x768xf32, #tpu.memory_space<vmem>>) dst(%dma_wait3A_398 : memref<32x768xf32, #tpu.memory_space<hbm>>)
    %dma_start3A_403 = arith.constant 9 : i32
    %dma_start3A_404 = arith.constant 1 : i32
    %dma_start3A_405 = arith.constant 0 : i32
    %dma_start3A_406 = arith.constant 0 : i32
    %dma_start3A_407 = tpu.memref_slice %arg6[%dma_start3A_404, %dma_start3A_405, %dma_start3A_406] : memref<4x32x768xf32, #tpu.memory_space<vmem>> -> memref<1x32x768xf32, #tpu.memory_space<vmem>>
    %dma_start3A_408 = tpu.memref_squeeze %dma_start3A_407 : memref<1x32x768xf32, #tpu.memory_space<vmem>> -> memref<32x768xf32, #tpu.memory_space<vmem>>
    %dma_start3A_409 = arith.constant 0 : i32
    %dma_start3A_410 = tpu.memref_slice %arg5[%dma_start3A_403, %dma_start3A_409] : memref<16x32xi32, #tpu.memory_space<vmem>> -> memref<1x32xi32, #tpu.memory_space<vmem>>
    %dma_start3A_411 = tpu.memref_squeeze %dma_start3A_410 : memref<1x32xi32, #tpu.memory_space<vmem>> -> memref<32xi32, #tpu.memory_space<vmem>>
    %dma_start3A_412 = arith.constant 0 : i32
    %dma_start3A_413 = arith.constant 0 : i32
    %dma_start3A_414 = tpu.memref_slice %arg2[%dma_start3A_412, %dma_start3A_413] : memref<65536x768xf32, #tpu.memory_space<hbm>> -> memref<65536x768xf32, #tpu.memory_space<hbm>>
    tpu.enqueue_indirect_dma source(%dma_start3A_414 : memref<65536x768xf32, #tpu.memory_space<hbm>>) target(%dma_start3A_408 : memref<32x768xf32, #tpu.memory_space<vmem>>) offsets(%dma_start3A_411 : memref<32xi32, #tpu.memory_space<vmem>>) semaphore(%arg8 : memref<!tpu.dma_semaphore, #tpu.memory_space<semaphore_mem>>)
    %dma_wait3A_415 = arith.constant 8 : i32
    %dma_wait3A_416 = arith.constant 0 : i32
    %dma_wait3A_417 = arith.constant 0 : i32
    %dma_wait3A_418 = arith.constant 0 : i32
    %dma_wait3A_419 = tpu.memref_slice %arg6[%dma_wait3A_416, %dma_wait3A_417, %dma_wait3A_418] : memref<4x32x768xf32, #tpu.memory_space<vmem>> -> memref<1x32x768xf32, #tpu.memory_space<vmem>>
    %dma_wait3A_420 = tpu.memref_squeeze %dma_wait3A_419 : memref<1x32x768xf32, #tpu.memory_space<vmem>> -> memref<32x768xf32, #tpu.memory_space<vmem>>
    %dma_wait3A_421 = arith.constant 0 : i32
    %dma_wait3A_422 = tpu.memref_slice %arg5[%dma_wait3A_415, %dma_wait3A_421] : memref<16x32xi32, #tpu.memory_space<vmem>> -> memref<1x32xi32, #tpu.memory_space<vmem>>
    %dma_wait3A_423 = tpu.memref_squeeze %dma_wait3A_422 : memref<1x32xi32, #tpu.memory_space<vmem>> -> memref<32xi32, #tpu.memory_space<vmem>>
    %dma_wait3A_424 = arith.constant 0 : i32
    %dma_wait3A_425 = arith.constant 0 : i32
    %dma_wait3A_426 = tpu.memref_slice %arg2[%dma_wait3A_424, %dma_wait3A_425] : memref<65536x768xf32, #tpu.memory_space<hbm>> -> memref<65536x768xf32, #tpu.memory_space<hbm>>
    tpu.wait_indirect_dma semaphore(%arg7 : memref<!tpu.dma_semaphore, #tpu.memory_space<semaphore_mem>>) src(%dma_wait3A_426 : memref<65536x768xf32, #tpu.memory_space<hbm>>) dst(%dma_wait3A_420 : memref<32x768xf32, #tpu.memory_space<vmem>>)
    %add3A_427 = arith.constant 256 : i32
    %add3A_428 = arith.addi %mul3A_2, %add3A_427 : i32
    %dma_start3A_429 = arith.constant 0 : i32
    %dma_start3A_430 = arith.constant 0 : i32
    %dma_start3A_431 = arith.constant 0 : i32
    %dma_start3A_432 = tpu.memref_slice %arg6[%dma_start3A_429, %dma_start3A_430, %dma_start3A_431] : memref<4x32x768xf32, #tpu.memory_space<vmem>> -> memref<1x32x768xf32, #tpu.memory_space<vmem>>
    %dma_start3A_433 = tpu.memref_squeeze %dma_start3A_432 : memref<1x32x768xf32, #tpu.memory_space<vmem>> -> memref<32x768xf32, #tpu.memory_space<vmem>>
    %dma_start3A_434 = arith.constant 0 : i32
    %dma_start3A_435 = tpu.memref_slice %arg4[%add3A_428, %dma_start3A_434] : memref<16384x768xf32, #tpu.memory_space<hbm>> -> memref<32x768xf32, #tpu.memory_space<hbm>>
    %dma_start3A_436 = arith.constant 0 : i32
    %dma_start3A_437 = tpu.memref_slice %arg4[%add3A_428, %dma_start3A_436] : memref<16384x768xf32, #tpu.memory_space<hbm>> -> memref<32x768xf32, #tpu.memory_space<hbm>>
    %dma_start3A_438 = arith.constant 0 : i32
    %dma_start3A_439 = arith.constant 0 : i32
    %dma_start3A_440 = tpu.memref_slice %arg6[%dma_start3A_429, %dma_start3A_438, %dma_start3A_439] : memref<4x32x768xf32, #tpu.memory_space<vmem>> -> memref<1x32x768xf32, #tpu.memory_space<vmem>>
    %dma_start3A_441 = tpu.memref_squeeze %dma_start3A_440 : memref<1x32x768xf32, #tpu.memory_space<vmem>> -> memref<32x768xf32, #tpu.memory_space<vmem>>
    tpu.enqueue_dma source(%dma_start3A_441 : memref<32x768xf32, #tpu.memory_space<vmem>>) target(%dma_start3A_437 : memref<32x768xf32, #tpu.memory_space<hbm>>) target_semaphore(%arg11 : memref<!tpu.dma_semaphore, #tpu.memory_space<semaphore_mem>>)
    %dma_wait3A_442 = arith.constant 2 : i32
    %dma_wait3A_443 = arith.constant 0 : i32
    %dma_wait3A_444 = arith.constant 0 : i32
    %dma_wait3A_445 = tpu.memref_slice %arg6[%dma_wait3A_442, %dma_wait3A_443, %dma_wait3A_444] : memref<4x32x768xf32, #tpu.memory_space<vmem>> -> memref<1x32x768xf32, #tpu.memory_space<vmem>>
    %dma_wait3A_446 = tpu.memref_squeeze %dma_wait3A_445 : memref<1x32x768xf32, #tpu.memory_space<vmem>> -> memref<32x768xf32, #tpu.memory_space<vmem>>
    %dma_wait3A_447 = arith.constant 0 : i32
    %dma_wait3A_448 = tpu.memref_slice %arg4[%add3A_324, %dma_wait3A_447] : memref<16384x768xf32, #tpu.memory_space<hbm>> -> memref<32x768xf32, #tpu.memory_space<hbm>>
    %dma_wait3A_449 = arith.constant 0 : i32
    %dma_wait3A_450 = tpu.memref_slice %arg4[%add3A_324, %dma_wait3A_449] : memref<16384x768xf32, #tpu.memory_space<hbm>> -> memref<32x768xf32, #tpu.memory_space<hbm>>
    %dma_wait3A_451 = arith.constant 0 : i32
    %dma_wait3A_452 = arith.constant 0 : i32
    %dma_wait3A_453 = tpu.memref_slice %arg6[%dma_wait3A_442, %dma_wait3A_451, %dma_wait3A_452] : memref<4x32x768xf32, #tpu.memory_space<vmem>> -> memref<1x32x768xf32, #tpu.memory_space<vmem>>
    %dma_wait3A_454 = tpu.memref_squeeze %dma_wait3A_453 : memref<1x32x768xf32, #tpu.memory_space<vmem>> -> memref<32x768xf32, #tpu.memory_space<vmem>>
    tpu.wait_dma2 semaphore(%arg13 : memref<!tpu.dma_semaphore, #tpu.memory_space<semaphore_mem>>) src(%dma_wait3A_454 : memref<32x768xf32, #tpu.memory_space<vmem>>) dst(%dma_wait3A_450 : memref<32x768xf32, #tpu.memory_space<hbm>>)
    %dma_start3A_455 = arith.constant 10 : i32
    %dma_start3A_456 = arith.constant 2 : i32
    %dma_start3A_457 = arith.constant 0 : i32
    %dma_start3A_458 = arith.constant 0 : i32
    %dma_start3A_459 = tpu.memref_slice %arg6[%dma_start3A_456, %dma_start3A_457, %dma_start3A_458] : memref<4x32x768xf32, #tpu.memory_space<vmem>> -> memref<1x32x768xf32, #tpu.memory_space<vmem>>
    %dma_start3A_460 = tpu.memref_squeeze %dma_start3A_459 : memref<1x32x768xf32, #tpu.memory_space<vmem>> -> memref<32x768xf32, #tpu.memory_space<vmem>>
    %dma_start3A_461 = arith.constant 0 : i32
    %dma_start3A_462 = tpu.memref_slice %arg5[%dma_start3A_455, %dma_start3A_461] : memref<16x32xi32, #tpu.memory_space<vmem>> -> memref<1x32xi32, #tpu.memory_space<vmem>>
    %dma_start3A_463 = tpu.memref_squeeze %dma_start3A_462 : memref<1x32xi32, #tpu.memory_space<vmem>> -> memref<32xi32, #tpu.memory_space<vmem>>
    %dma_start3A_464 = arith.constant 0 : i32
    %dma_start3A_465 = arith.constant 0 : i32
    %dma_start3A_466 = tpu.memref_slice %arg2[%dma_start3A_464, %dma_start3A_465] : memref<65536x768xf32, #tpu.memory_space<hbm>> -> memref<65536x768xf32, #tpu.memory_space<hbm>>
    tpu.enqueue_indirect_dma source(%dma_start3A_466 : memref<65536x768xf32, #tpu.memory_space<hbm>>) target(%dma_start3A_460 : memref<32x768xf32, #tpu.memory_space<vmem>>) offsets(%dma_start3A_463 : memref<32xi32, #tpu.memory_space<vmem>>) semaphore(%arg9 : memref<!tpu.dma_semaphore, #tpu.memory_space<semaphore_mem>>)
    %dma_wait3A_467 = arith.constant 9 : i32
    %dma_wait3A_468 = arith.constant 1 : i32
    %dma_wait3A_469 = arith.constant 0 : i32
    %dma_wait3A_470 = arith.constant 0 : i32
    %dma_wait3A_471 = tpu.memref_slice %arg6[%dma_wait3A_468, %dma_wait3A_469, %dma_wait3A_470] : memref<4x32x768xf32, #tpu.memory_space<vmem>> -> memref<1x32x768xf32, #tpu.memory_space<vmem>>
    %dma_wait3A_472 = tpu.memref_squeeze %dma_wait3A_471 : memref<1x32x768xf32, #tpu.memory_space<vmem>> -> memref<32x768xf32, #tpu.memory_space<vmem>>
    %dma_wait3A_473 = arith.constant 0 : i32
    %dma_wait3A_474 = tpu.memref_slice %arg5[%dma_wait3A_467, %dma_wait3A_473] : memref<16x32xi32, #tpu.memory_space<vmem>> -> memref<1x32xi32, #tpu.memory_space<vmem>>
    %dma_wait3A_475 = tpu.memref_squeeze %dma_wait3A_474 : memref<1x32xi32, #tpu.memory_space<vmem>> -> memref<32xi32, #tpu.memory_space<vmem>>
    %dma_wait3A_476 = arith.constant 0 : i32
    %dma_wait3A_477 = arith.constant 0 : i32
    %dma_wait3A_478 = tpu.memref_slice %arg2[%dma_wait3A_476, %dma_wait3A_477] : memref<65536x768xf32, #tpu.memory_space<hbm>> -> memref<65536x768xf32, #tpu.memory_space<hbm>>
    tpu.wait_indirect_dma semaphore(%arg8 : memref<!tpu.dma_semaphore, #tpu.memory_space<semaphore_mem>>) src(%dma_wait3A_478 : memref<65536x768xf32, #tpu.memory_space<hbm>>) dst(%dma_wait3A_472 : memref<32x768xf32, #tpu.memory_space<vmem>>)
    %add3A_479 = arith.constant 288 : i32
    %add3A_480 = arith.addi %mul3A_2, %add3A_479 : i32
    %dma_start3A_481 = arith.constant 1 : i32
    %dma_start3A_482 = arith.constant 0 : i32
    %dma_start3A_483 = arith.constant 0 : i32
    %dma_start3A_484 = tpu.memref_slice %arg6[%dma_start3A_481, %dma_start3A_482, %dma_start3A_483] : memref<4x32x768xf32, #tpu.memory_space<vmem>> -> memref<1x32x768xf32, #tpu.memory_space<vmem>>
    %dma_start3A_485 = tpu.memref_squeeze %dma_start3A_484 : memref<1x32x768xf32, #tpu.memory_space<vmem>> -> memref<32x768xf32, #tpu.memory_space<vmem>>
    %dma_start3A_486 = arith.constant 0 : i32
    %dma_start3A_487 = tpu.memref_slice %arg4[%add3A_480, %dma_start3A_486] : memref<16384x768xf32, #tpu.memory_space<hbm>> -> memref<32x768xf32, #tpu.memory_space<hbm>>
    %dma_start3A_488 = arith.constant 0 : i32
    %dma_start3A_489 = tpu.memref_slice %arg4[%add3A_480, %dma_start3A_488] : memref<16384x768xf32, #tpu.memory_space<hbm>> -> memref<32x768xf32, #tpu.memory_space<hbm>>
    %dma_start3A_490 = arith.constant 0 : i32
    %dma_start3A_491 = arith.constant 0 : i32
    %dma_start3A_492 = tpu.memref_slice %arg6[%dma_start3A_481, %dma_start3A_490, %dma_start3A_491] : memref<4x32x768xf32, #tpu.memory_space<vmem>> -> memref<1x32x768xf32, #tpu.memory_space<vmem>>
    %dma_start3A_493 = tpu.memref_squeeze %dma_start3A_492 : memref<1x32x768xf32, #tpu.memory_space<vmem>> -> memref<32x768xf32, #tpu.memory_space<vmem>>
    tpu.enqueue_dma source(%dma_start3A_493 : memref<32x768xf32, #tpu.memory_space<vmem>>) target(%dma_start3A_489 : memref<32x768xf32, #tpu.memory_space<hbm>>) target_semaphore(%arg12 : memref<!tpu.dma_semaphore, #tpu.memory_space<semaphore_mem>>)
    %dma_wait3A_494 = arith.constant 3 : i32
    %dma_wait3A_495 = arith.constant 0 : i32
    %dma_wait3A_496 = arith.constant 0 : i32
    %dma_wait3A_497 = tpu.memref_slice %arg6[%dma_wait3A_494, %dma_wait3A_495, %dma_wait3A_496] : memref<4x32x768xf32, #tpu.memory_space<vmem>> -> memref<1x32x768xf32, #tpu.memory_space<vmem>>
    %dma_wait3A_498 = tpu.memref_squeeze %dma_wait3A_497 : memref<1x32x768xf32, #tpu.memory_space<vmem>> -> memref<32x768xf32, #tpu.memory_space<vmem>>
    %dma_wait3A_499 = arith.constant 0 : i32
    %dma_wait3A_500 = tpu.memref_slice %arg4[%add3A_376, %dma_wait3A_499] : memref<16384x768xf32, #tpu.memory_space<hbm>> -> memref<32x768xf32, #tpu.memory_space<hbm>>
    %dma_wait3A_501 = arith.constant 0 : i32
    %dma_wait3A_502 = tpu.memref_slice %arg4[%add3A_376, %dma_wait3A_501] : memref<16384x768xf32, #tpu.memory_space<hbm>> -> memref<32x768xf32, #tpu.memory_space<hbm>>
    %dma_wait3A_503 = arith.constant 0 : i32
    %dma_wait3A_504 = arith.constant 0 : i32
    %dma_wait3A_505 = tpu.memref_slice %arg6[%dma_wait3A_494, %dma_wait3A_503, %dma_wait3A_504] : memref<4x32x768xf32, #tpu.memory_space<vmem>> -> memref<1x32x768xf32, #tpu.memory_space<vmem>>
    %dma_wait3A_506 = tpu.memref_squeeze %dma_wait3A_505 : memref<1x32x768xf32, #tpu.memory_space<vmem>> -> memref<32x768xf32, #tpu.memory_space<vmem>>
    tpu.wait_dma2 semaphore(%arg14 : memref<!tpu.dma_semaphore, #tpu.memory_space<semaphore_mem>>) src(%dma_wait3A_506 : memref<32x768xf32, #tpu.memory_space<vmem>>) dst(%dma_wait3A_502 : memref<32x768xf32, #tpu.memory_space<hbm>>)
    %dma_start3A_507 = arith.constant 11 : i32
    %dma_start3A_508 = arith.constant 3 : i32
    %dma_start3A_509 = arith.constant 0 : i32
    %dma_start3A_510 = arith.constant 0 : i32
    %dma_start3A_511 = tpu.memref_slice %arg6[%dma_start3A_508, %dma_start3A_509, %dma_start3A_510] : memref<4x32x768xf32, #tpu.memory_space<vmem>> -> memref<1x32x768xf32, #tpu.memory_space<vmem>>
    %dma_start3A_512 = tpu.memref_squeeze %dma_start3A_511 : memref<1x32x768xf32, #tpu.memory_space<vmem>> -> memref<32x768xf32, #tpu.memory_space<vmem>>
    %dma_start3A_513 = arith.constant 0 : i32
    %dma_start3A_514 = tpu.memref_slice %arg5[%dma_start3A_507, %dma_start3A_513] : memref<16x32xi32, #tpu.memory_space<vmem>> -> memref<1x32xi32, #tpu.memory_space<vmem>>
    %dma_start3A_515 = tpu.memref_squeeze %dma_start3A_514 : memref<1x32xi32, #tpu.memory_space<vmem>> -> memref<32xi32, #tpu.memory_space<vmem>>
    %dma_start3A_516 = arith.constant 0 : i32
    %dma_start3A_517 = arith.constant 0 : i32
    %dma_start3A_518 = tpu.memref_slice %arg2[%dma_start3A_516, %dma_start3A_517] : memref<65536x768xf32, #tpu.memory_space<hbm>> -> memref<65536x768xf32, #tpu.memory_space<hbm>>
    tpu.enqueue_indirect_dma source(%dma_start3A_518 : memref<65536x768xf32, #tpu.memory_space<hbm>>) target(%dma_start3A_512 : memref<32x768xf32, #tpu.memory_space<vmem>>) offsets(%dma_start3A_515 : memref<32xi32, #tpu.memory_space<vmem>>) semaphore(%arg10 : memref<!tpu.dma_semaphore, #tpu.memory_space<semaphore_mem>>)
    %dma_wait3A_519 = arith.constant 10 : i32
    %dma_wait3A_520 = arith.constant 2 : i32
    %dma_wait3A_521 = arith.constant 0 : i32
    %dma_wait3A_522 = arith.constant 0 : i32
    %dma_wait3A_523 = tpu.memref_slice %arg6[%dma_wait3A_520, %dma_wait3A_521, %dma_wait3A_522] : memref<4x32x768xf32, #tpu.memory_space<vmem>> -> memref<1x32x768xf32, #tpu.memory_space<vmem>>
    %dma_wait3A_524 = tpu.memref_squeeze %dma_wait3A_523 : memref<1x32x768xf32, #tpu.memory_space<vmem>> -> memref<32x768xf32, #tpu.memory_space<vmem>>
    %dma_wait3A_525 = arith.constant 0 : i32
    %dma_wait3A_526 = tpu.memref_slice %arg5[%dma_wait3A_519, %dma_wait3A_525] : memref<16x32xi32, #tpu.memory_space<vmem>> -> memref<1x32xi32, #tpu.memory_space<vmem>>
    %dma_wait3A_527 = tpu.memref_squeeze %dma_wait3A_526 : memref<1x32xi32, #tpu.memory_space<vmem>> -> memref<32xi32, #tpu.memory_space<vmem>>
    %dma_wait3A_528 = arith.constant 0 : i32
    %dma_wait3A_529 = arith.constant 0 : i32
    %dma_wait3A_530 = tpu.memref_slice %arg2[%dma_wait3A_528, %dma_wait3A_529] : memref<65536x768xf32, #tpu.memory_space<hbm>> -> memref<65536x768xf32, #tpu.memory_space<hbm>>
    tpu.wait_indirect_dma semaphore(%arg9 : memref<!tpu.dma_semaphore, #tpu.memory_space<semaphore_mem>>) src(%dma_wait3A_530 : memref<65536x768xf32, #tpu.memory_space<hbm>>) dst(%dma_wait3A_524 : memref<32x768xf32, #tpu.memory_space<vmem>>)
    %add3A_531 = arith.constant 320 : i32
    %add3A_532 = arith.addi %mul3A_2, %add3A_531 : i32
    %dma_start3A_533 = arith.constant 2 : i32
    %dma_start3A_534 = arith.constant 0 : i32
    %dma_start3A_535 = arith.constant 0 : i32
    %dma_start3A_536 = tpu.memref_slice %arg6[%dma_start3A_533, %dma_start3A_534, %dma_start3A_535] : memref<4x32x768xf32, #tpu.memory_space<vmem>> -> memref<1x32x768xf32, #tpu.memory_space<vmem>>
    %dma_start3A_537 = tpu.memref_squeeze %dma_start3A_536 : memref<1x32x768xf32, #tpu.memory_space<vmem>> -> memref<32x768xf32, #tpu.memory_space<vmem>>
    %dma_start3A_538 = arith.constant 0 : i32
    %dma_start3A_539 = tpu.memref_slice %arg4[%add3A_532, %dma_start3A_538] : memref<16384x768xf32, #tpu.memory_space<hbm>> -> memref<32x768xf32, #tpu.memory_space<hbm>>
    %dma_start3A_540 = arith.constant 0 : i32
    %dma_start3A_541 = tpu.memref_slice %arg4[%add3A_532, %dma_start3A_540] : memref<16384x768xf32, #tpu.memory_space<hbm>> -> memref<32x768xf32, #tpu.memory_space<hbm>>
    %dma_start3A_542 = arith.constant 0 : i32
    %dma_start3A_543 = arith.constant 0 : i32
    %dma_start3A_544 = tpu.memref_slice %arg6[%dma_start3A_533, %dma_start3A_542, %dma_start3A_543] : memref<4x32x768xf32, #tpu.memory_space<vmem>> -> memref<1x32x768xf32, #tpu.memory_space<vmem>>
    %dma_start3A_545 = tpu.memref_squeeze %dma_start3A_544 : memref<1x32x768xf32, #tpu.memory_space<vmem>> -> memref<32x768xf32, #tpu.memory_space<vmem>>
    tpu.enqueue_dma source(%dma_start3A_545 : memref<32x768xf32, #tpu.memory_space<vmem>>) target(%dma_start3A_541 : memref<32x768xf32, #tpu.memory_space<hbm>>) target_semaphore(%arg13 : memref<!tpu.dma_semaphore, #tpu.memory_space<semaphore_mem>>)
    %dma_wait3A_546 = arith.constant 0 : i32
    %dma_wait3A_547 = arith.constant 0 : i32
    %dma_wait3A_548 = arith.constant 0 : i32
    %dma_wait3A_549 = tpu.memref_slice %arg6[%dma_wait3A_546, %dma_wait3A_547, %dma_wait3A_548] : memref<4x32x768xf32, #tpu.memory_space<vmem>> -> memref<1x32x768xf32, #tpu.memory_space<vmem>>
    %dma_wait3A_550 = tpu.memref_squeeze %dma_wait3A_549 : memref<1x32x768xf32, #tpu.memory_space<vmem>> -> memref<32x768xf32, #tpu.memory_space<vmem>>
    %dma_wait3A_551 = arith.constant 0 : i32
    %dma_wait3A_552 = tpu.memref_slice %arg4[%add3A_428, %dma_wait3A_551] : memref<16384x768xf32, #tpu.memory_space<hbm>> -> memref<32x768xf32, #tpu.memory_space<hbm>>
    %dma_wait3A_553 = arith.constant 0 : i32
    %dma_wait3A_554 = tpu.memref_slice %arg4[%add3A_428, %dma_wait3A_553] : memref<16384x768xf32, #tpu.memory_space<hbm>> -> memref<32x768xf32, #tpu.memory_space<hbm>>
    %dma_wait3A_555 = arith.constant 0 : i32
    %dma_wait3A_556 = arith.constant 0 : i32
    %dma_wait3A_557 = tpu.memref_slice %arg6[%dma_wait3A_546, %dma_wait3A_555, %dma_wait3A_556] : memref<4x32x768xf32, #tpu.memory_space<vmem>> -> memref<1x32x768xf32, #tpu.memory_space<vmem>>
    %dma_wait3A_558 = tpu.memref_squeeze %dma_wait3A_557 : memref<1x32x768xf32, #tpu.memory_space<vmem>> -> memref<32x768xf32, #tpu.memory_space<vmem>>
    tpu.wait_dma2 semaphore(%arg11 : memref<!tpu.dma_semaphore, #tpu.memory_space<semaphore_mem>>) src(%dma_wait3A_558 : memref<32x768xf32, #tpu.memory_space<vmem>>) dst(%dma_wait3A_554 : memref<32x768xf32, #tpu.memory_space<hbm>>)
    %dma_start3A_559 = arith.constant 12 : i32
    %dma_start3A_560 = arith.constant 0 : i32
    %dma_start3A_561 = arith.constant 0 : i32
    %dma_start3A_562 = arith.constant 0 : i32
    %dma_start3A_563 = tpu.memref_slice %arg6[%dma_start3A_560, %dma_start3A_561, %dma_start3A_562] : memref<4x32x768xf32, #tpu.memory_space<vmem>> -> memref<1x32x768xf32, #tpu.memory_space<vmem>>
    %dma_start3A_564 = tpu.memref_squeeze %dma_start3A_563 : memref<1x32x768xf32, #tpu.memory_space<vmem>> -> memref<32x768xf32, #tpu.memory_space<vmem>>
    %dma_start3A_565 = arith.constant 0 : i32
    %dma_start3A_566 = tpu.memref_slice %arg5[%dma_start3A_559, %dma_start3A_565] : memref<16x32xi32, #tpu.memory_space<vmem>> -> memref<1x32xi32, #tpu.memory_space<vmem>>
    %dma_start3A_567 = tpu.memref_squeeze %dma_start3A_566 : memref<1x32xi32, #tpu.memory_space<vmem>> -> memref<32xi32, #tpu.memory_space<vmem>>
    %dma_start3A_568 = arith.constant 0 : i32
    %dma_start3A_569 = arith.constant 0 : i32
    %dma_start3A_570 = tpu.memref_slice %arg2[%dma_start3A_568, %dma_start3A_569] : memref<65536x768xf32, #tpu.memory_space<hbm>> -> memref<65536x768xf32, #tpu.memory_space<hbm>>
    tpu.enqueue_indirect_dma source(%dma_start3A_570 : memref<65536x768xf32, #tpu.memory_space<hbm>>) target(%dma_start3A_564 : memref<32x768xf32, #tpu.memory_space<vmem>>) offsets(%dma_start3A_567 : memref<32xi32, #tpu.memory_space<vmem>>) semaphore(%arg7 : memref<!tpu.dma_semaphore, #tpu.memory_space<semaphore_mem>>)
    %dma_wait3A_571 = arith.constant 11 : i32
    %dma_wait3A_572 = arith.constant 3 : i32
    %dma_wait3A_573 = arith.constant 0 : i32
    %dma_wait3A_574 = arith.constant 0 : i32
    %dma_wait3A_575 = tpu.memref_slice %arg6[%dma_wait3A_572, %dma_wait3A_573, %dma_wait3A_574] : memref<4x32x768xf32, #tpu.memory_space<vmem>> -> memref<1x32x768xf32, #tpu.memory_space<vmem>>
    %dma_wait3A_576 = tpu.memref_squeeze %dma_wait3A_575 : memref<1x32x768xf32, #tpu.memory_space<vmem>> -> memref<32x768xf32, #tpu.memory_space<vmem>>
    %dma_wait3A_577 = arith.constant 0 : i32
    %dma_wait3A_578 = tpu.memref_slice %arg5[%dma_wait3A_571, %dma_wait3A_577] : memref<16x32xi32, #tpu.memory_space<vmem>> -> memref<1x32xi32, #tpu.memory_space<vmem>>
    %dma_wait3A_579 = tpu.memref_squeeze %dma_wait3A_578 : memref<1x32xi32, #tpu.memory_space<vmem>> -> memref<32xi32, #tpu.memory_space<vmem>>
    %dma_wait3A_580 = arith.constant 0 : i32
    %dma_wait3A_581 = arith.constant 0 : i32
    %dma_wait3A_582 = tpu.memref_slice %arg2[%dma_wait3A_580, %dma_wait3A_581] : memref<65536x768xf32, #tpu.memory_space<hbm>> -> memref<65536x768xf32, #tpu.memory_space<hbm>>
    tpu.wait_indirect_dma semaphore(%arg10 : memref<!tpu.dma_semaphore, #tpu.memory_space<semaphore_mem>>) src(%dma_wait3A_582 : memref<65536x768xf32, #tpu.memory_space<hbm>>) dst(%dma_wait3A_576 : memref<32x768xf32, #tpu.memory_space<vmem>>)
    %add3A_583 = arith.constant 352 : i32
    %add3A_584 = arith.addi %mul3A_2, %add3A_583 : i32
    %dma_start3A_585 = arith.constant 3 : i32
    %dma_start3A_586 = arith.constant 0 : i32
    %dma_start3A_587 = arith.constant 0 : i32
    %dma_start3A_588 = tpu.memref_slice %arg6[%dma_start3A_585, %dma_start3A_586, %dma_start3A_587] : memref<4x32x768xf32, #tpu.memory_space<vmem>> -> memref<1x32x768xf32, #tpu.memory_space<vmem>>
    %dma_start3A_589 = tpu.memref_squeeze %dma_start3A_588 : memref<1x32x768xf32, #tpu.memory_space<vmem>> -> memref<32x768xf32, #tpu.memory_space<vmem>>
    %dma_start3A_590 = arith.constant 0 : i32
    %dma_start3A_591 = tpu.memref_slice %arg4[%add3A_584, %dma_start3A_590] : memref<16384x768xf32, #tpu.memory_space<hbm>> -> memref<32x768xf32, #tpu.memory_space<hbm>>
    %dma_start3A_592 = arith.constant 0 : i32
    %dma_start3A_593 = tpu.memref_slice %arg4[%add3A_584, %dma_start3A_592] : memref<16384x768xf32, #tpu.memory_space<hbm>> -> memref<32x768xf32, #tpu.memory_space<hbm>>
    %dma_start3A_594 = arith.constant 0 : i32
    %dma_start3A_595 = arith.constant 0 : i32
    %dma_start3A_596 = tpu.memref_slice %arg6[%dma_start3A_585, %dma_start3A_594, %dma_start3A_595] : memref<4x32x768xf32, #tpu.memory_space<vmem>> -> memref<1x32x768xf32, #tpu.memory_space<vmem>>
    %dma_start3A_597 = tpu.memref_squeeze %dma_start3A_596 : memref<1x32x768xf32, #tpu.memory_space<vmem>> -> memref<32x768xf32, #tpu.memory_space<vmem>>
    tpu.enqueue_dma source(%dma_start3A_597 : memref<32x768xf32, #tpu.memory_space<vmem>>) target(%dma_start3A_593 : memref<32x768xf32, #tpu.memory_space<hbm>>) target_semaphore(%arg14 : memref<!tpu.dma_semaphore, #tpu.memory_space<semaphore_mem>>)
    %dma_wait3A_598 = arith.constant 1 : i32
    %dma_wait3A_599 = arith.constant 0 : i32
    %dma_wait3A_600 = arith.constant 0 : i32
    %dma_wait3A_601 = tpu.memref_slice %arg6[%dma_wait3A_598, %dma_wait3A_599, %dma_wait3A_600] : memref<4x32x768xf32, #tpu.memory_space<vmem>> -> memref<1x32x768xf32, #tpu.memory_space<vmem>>
    %dma_wait3A_602 = tpu.memref_squeeze %dma_wait3A_601 : memref<1x32x768xf32, #tpu.memory_space<vmem>> -> memref<32x768xf32, #tpu.memory_space<vmem>>
    %dma_wait3A_603 = arith.constant 0 : i32
    %dma_wait3A_604 = tpu.memref_slice %arg4[%add3A_480, %dma_wait3A_603] : memref<16384x768xf32, #tpu.memory_space<hbm>> -> memref<32x768xf32, #tpu.memory_space<hbm>>
    %dma_wait3A_605 = arith.constant 0 : i32
    %dma_wait3A_606 = tpu.memref_slice %arg4[%add3A_480, %dma_wait3A_605] : memref<16384x768xf32, #tpu.memory_space<hbm>> -> memref<32x768xf32, #tpu.memory_space<hbm>>
    %dma_wait3A_607 = arith.constant 0 : i32
    %dma_wait3A_608 = arith.constant 0 : i32
    %dma_wait3A_609 = tpu.memref_slice %arg6[%dma_wait3A_598, %dma_wait3A_607, %dma_wait3A_608] : memref<4x32x768xf32, #tpu.memory_space<vmem>> -> memref<1x32x768xf32, #tpu.memory_space<vmem>>
    %dma_wait3A_610 = tpu.memref_squeeze %dma_wait3A_609 : memref<1x32x768xf32, #tpu.memory_space<vmem>> -> memref<32x768xf32, #tpu.memory_space<vmem>>
    tpu.wait_dma2 semaphore(%arg12 : memref<!tpu.dma_semaphore, #tpu.memory_space<semaphore_mem>>) src(%dma_wait3A_610 : memref<32x768xf32, #tpu.memory_space<vmem>>) dst(%dma_wait3A_606 : memref<32x768xf32, #tpu.memory_space<hbm>>)
    %dma_start3A_611 = arith.constant 13 : i32
    %dma_start3A_612 = arith.constant 1 : i32
    %dma_start3A_613 = arith.constant 0 : i32
    %dma_start3A_614 = arith.constant 0 : i32
    %dma_start3A_615 = tpu.memref_slice %arg6[%dma_start3A_612, %dma_start3A_613, %dma_start3A_614] : memref<4x32x768xf32, #tpu.memory_space<vmem>> -> memref<1x32x768xf32, #tpu.memory_space<vmem>>
    %dma_start3A_616 = tpu.memref_squeeze %dma_start3A_615 : memref<1x32x768xf32, #tpu.memory_space<vmem>> -> memref<32x768xf32, #tpu.memory_space<vmem>>
    %dma_start3A_617 = arith.constant 0 : i32
    %dma_start3A_618 = tpu.memref_slice %arg5[%dma_start3A_611, %dma_start3A_617] : memref<16x32xi32, #tpu.memory_space<vmem>> -> memref<1x32xi32, #tpu.memory_space<vmem>>
    %dma_start3A_619 = tpu.memref_squeeze %dma_start3A_618 : memref<1x32xi32, #tpu.memory_space<vmem>> -> memref<32xi32, #tpu.memory_space<vmem>>
    %dma_start3A_620 = arith.constant 0 : i32
    %dma_start3A_621 = arith.constant 0 : i32
    %dma_start3A_622 = tpu.memref_slice %arg2[%dma_start3A_620, %dma_start3A_621] : memref<65536x768xf32, #tpu.memory_space<hbm>> -> memref<65536x768xf32, #tpu.memory_space<hbm>>
    tpu.enqueue_indirect_dma source(%dma_start3A_622 : memref<65536x768xf32, #tpu.memory_space<hbm>>) target(%dma_start3A_616 : memref<32x768xf32, #tpu.memory_space<vmem>>) offsets(%dma_start3A_619 : memref<32xi32, #tpu.memory_space<vmem>>) semaphore(%arg8 : memref<!tpu.dma_semaphore, #tpu.memory_space<semaphore_mem>>)
    %dma_wait3A_623 = arith.constant 12 : i32
    %dma_wait3A_624 = arith.constant 0 : i32
    %dma_wait3A_625 = arith.constant 0 : i32
    %dma_wait3A_626 = arith.constant 0 : i32
    %dma_wait3A_627 = tpu.memref_slice %arg6[%dma_wait3A_624, %dma_wait3A_625, %dma_wait3A_626] : memref<4x32x768xf32, #tpu.memory_space<vmem>> -> memref<1x32x768xf32, #tpu.memory_space<vmem>>
    %dma_wait3A_628 = tpu.memref_squeeze %dma_wait3A_627 : memref<1x32x768xf32, #tpu.memory_space<vmem>> -> memref<32x768xf32, #tpu.memory_space<vmem>>
    %dma_wait3A_629 = arith.constant 0 : i32
    %dma_wait3A_630 = tpu.memref_slice %arg5[%dma_wait3A_623, %dma_wait3A_629] : memref<16x32xi32, #tpu.memory_space<vmem>> -> memref<1x32xi32, #tpu.memory_space<vmem>>
    %dma_wait3A_631 = tpu.memref_squeeze %dma_wait3A_630 : memref<1x32xi32, #tpu.memory_space<vmem>> -> memref<32xi32, #tpu.memory_space<vmem>>
    %dma_wait3A_632 = arith.constant 0 : i32
    %dma_wait3A_633 = arith.constant 0 : i32
    %dma_wait3A_634 = tpu.memref_slice %arg2[%dma_wait3A_632, %dma_wait3A_633] : memref<65536x768xf32, #tpu.memory_space<hbm>> -> memref<65536x768xf32, #tpu.memory_space<hbm>>
    tpu.wait_indirect_dma semaphore(%arg7 : memref<!tpu.dma_semaphore, #tpu.memory_space<semaphore_mem>>) src(%dma_wait3A_634 : memref<65536x768xf32, #tpu.memory_space<hbm>>) dst(%dma_wait3A_628 : memref<32x768xf32, #tpu.memory_space<vmem>>)
    %add3A_635 = arith.constant 384 : i32
    %add3A_636 = arith.addi %mul3A_2, %add3A_635 : i32
    %dma_start3A_637 = arith.constant 0 : i32
    %dma_start3A_638 = arith.constant 0 : i32
    %dma_start3A_639 = arith.constant 0 : i32
    %dma_start3A_640 = tpu.memref_slice %arg6[%dma_start3A_637, %dma_start3A_638, %dma_start3A_639] : memref<4x32x768xf32, #tpu.memory_space<vmem>> -> memref<1x32x768xf32, #tpu.memory_space<vmem>>
    %dma_start3A_641 = tpu.memref_squeeze %dma_start3A_640 : memref<1x32x768xf32, #tpu.memory_space<vmem>> -> memref<32x768xf32, #tpu.memory_space<vmem>>
    %dma_start3A_642 = arith.constant 0 : i32
    %dma_start3A_643 = tpu.memref_slice %arg4[%add3A_636, %dma_start3A_642] : memref<16384x768xf32, #tpu.memory_space<hbm>> -> memref<32x768xf32, #tpu.memory_space<hbm>>
    %dma_start3A_644 = arith.constant 0 : i32
    %dma_start3A_645 = tpu.memref_slice %arg4[%add3A_636, %dma_start3A_644] : memref<16384x768xf32, #tpu.memory_space<hbm>> -> memref<32x768xf32, #tpu.memory_space<hbm>>
    %dma_start3A_646 = arith.constant 0 : i32
    %dma_start3A_647 = arith.constant 0 : i32
    %dma_start3A_648 = tpu.memref_slice %arg6[%dma_start3A_637, %dma_start3A_646, %dma_start3A_647] : memref<4x32x768xf32, #tpu.memory_space<vmem>> -> memref<1x32x768xf32, #tpu.memory_space<vmem>>
    %dma_start3A_649 = tpu.memref_squeeze %dma_start3A_648 : memref<1x32x768xf32, #tpu.memory_space<vmem>> -> memref<32x768xf32, #tpu.memory_space<vmem>>
    tpu.enqueue_dma source(%dma_start3A_649 : memref<32x768xf32, #tpu.memory_space<vmem>>) target(%dma_start3A_645 : memref<32x768xf32, #tpu.memory_space<hbm>>) target_semaphore(%arg11 : memref<!tpu.dma_semaphore, #tpu.memory_space<semaphore_mem>>)
    %dma_wait3A_650 = arith.constant 2 : i32
    %dma_wait3A_651 = arith.constant 0 : i32
    %dma_wait3A_652 = arith.constant 0 : i32
    %dma_wait3A_653 = tpu.memref_slice %arg6[%dma_wait3A_650, %dma_wait3A_651, %dma_wait3A_652] : memref<4x32x768xf32, #tpu.memory_space<vmem>> -> memref<1x32x768xf32, #tpu.memory_space<vmem>>
    %dma_wait3A_654 = tpu.memref_squeeze %dma_wait3A_653 : memref<1x32x768xf32, #tpu.memory_space<vmem>> -> memref<32x768xf32, #tpu.memory_space<vmem>>
    %dma_wait3A_655 = arith.constant 0 : i32
    %dma_wait3A_656 = tpu.memref_slice %arg4[%add3A_532, %dma_wait3A_655] : memref<16384x768xf32, #tpu.memory_space<hbm>> -> memref<32x768xf32, #tpu.memory_space<hbm>>
    %dma_wait3A_657 = arith.constant 0 : i32
    %dma_wait3A_658 = tpu.memref_slice %arg4[%add3A_532, %dma_wait3A_657] : memref<16384x768xf32, #tpu.memory_space<hbm>> -> memref<32x768xf32, #tpu.memory_space<hbm>>
    %dma_wait3A_659 = arith.constant 0 : i32
    %dma_wait3A_660 = arith.constant 0 : i32
    %dma_wait3A_661 = tpu.memref_slice %arg6[%dma_wait3A_650, %dma_wait3A_659, %dma_wait3A_660] : memref<4x32x768xf32, #tpu.memory_space<vmem>> -> memref<1x32x768xf32, #tpu.memory_space<vmem>>
    %dma_wait3A_662 = tpu.memref_squeeze %dma_wait3A_661 : memref<1x32x768xf32, #tpu.memory_space<vmem>> -> memref<32x768xf32, #tpu.memory_space<vmem>>
    tpu.wait_dma2 semaphore(%arg13 : memref<!tpu.dma_semaphore, #tpu.memory_space<semaphore_mem>>) src(%dma_wait3A_662 : memref<32x768xf32, #tpu.memory_space<vmem>>) dst(%dma_wait3A_658 : memref<32x768xf32, #tpu.memory_space<hbm>>)
    %dma_start3A_663 = arith.constant 14 : i32
    %dma_start3A_664 = arith.constant 2 : i32
    %dma_start3A_665 = arith.constant 0 : i32
    %dma_start3A_666 = arith.constant 0 : i32
    %dma_start3A_667 = tpu.memref_slice %arg6[%dma_start3A_664, %dma_start3A_665, %dma_start3A_666] : memref<4x32x768xf32, #tpu.memory_space<vmem>> -> memref<1x32x768xf32, #tpu.memory_space<vmem>>
    %dma_start3A_668 = tpu.memref_squeeze %dma_start3A_667 : memref<1x32x768xf32, #tpu.memory_space<vmem>> -> memref<32x768xf32, #tpu.memory_space<vmem>>
    %dma_start3A_669 = arith.constant 0 : i32
    %dma_start3A_670 = tpu.memref_slice %arg5[%dma_start3A_663, %dma_start3A_669] : memref<16x32xi32, #tpu.memory_space<vmem>> -> memref<1x32xi32, #tpu.memory_space<vmem>>
    %dma_start3A_671 = tpu.memref_squeeze %dma_start3A_670 : memref<1x32xi32, #tpu.memory_space<vmem>> -> memref<32xi32, #tpu.memory_space<vmem>>
    %dma_start3A_672 = arith.constant 0 : i32
    %dma_start3A_673 = arith.constant 0 : i32
    %dma_start3A_674 = tpu.memref_slice %arg2[%dma_start3A_672, %dma_start3A_673] : memref<65536x768xf32, #tpu.memory_space<hbm>> -> memref<65536x768xf32, #tpu.memory_space<hbm>>
    tpu.enqueue_indirect_dma source(%dma_start3A_674 : memref<65536x768xf32, #tpu.memory_space<hbm>>) target(%dma_start3A_668 : memref<32x768xf32, #tpu.memory_space<vmem>>) offsets(%dma_start3A_671 : memref<32xi32, #tpu.memory_space<vmem>>) semaphore(%arg9 : memref<!tpu.dma_semaphore, #tpu.memory_space<semaphore_mem>>)
    %dma_wait3A_675 = arith.constant 13 : i32
    %dma_wait3A_676 = arith.constant 1 : i32
    %dma_wait3A_677 = arith.constant 0 : i32
    %dma_wait3A_678 = arith.constant 0 : i32
    %dma_wait3A_679 = tpu.memref_slice %arg6[%dma_wait3A_676, %dma_wait3A_677, %dma_wait3A_678] : memref<4x32x768xf32, #tpu.memory_space<vmem>> -> memref<1x32x768xf32, #tpu.memory_space<vmem>>
    %dma_wait3A_680 = tpu.memref_squeeze %dma_wait3A_679 : memref<1x32x768xf32, #tpu.memory_space<vmem>> -> memref<32x768xf32, #tpu.memory_space<vmem>>
    %dma_wait3A_681 = arith.constant 0 : i32
    %dma_wait3A_682 = tpu.memref_slice %arg5[%dma_wait3A_675, %dma_wait3A_681] : memref<16x32xi32, #tpu.memory_space<vmem>> -> memref<1x32xi32, #tpu.memory_space<vmem>>
    %dma_wait3A_683 = tpu.memref_squeeze %dma_wait3A_682 : memref<1x32xi32, #tpu.memory_space<vmem>> -> memref<32xi32, #tpu.memory_space<vmem>>
    %dma_wait3A_684 = arith.constant 0 : i32
    %dma_wait3A_685 = arith.constant 0 : i32
    %dma_wait3A_686 = tpu.memref_slice %arg2[%dma_wait3A_684, %dma_wait3A_685] : memref<65536x768xf32, #tpu.memory_space<hbm>> -> memref<65536x768xf32, #tpu.memory_space<hbm>>
    tpu.wait_indirect_dma semaphore(%arg8 : memref<!tpu.dma_semaphore, #tpu.memory_space<semaphore_mem>>) src(%dma_wait3A_686 : memref<65536x768xf32, #tpu.memory_space<hbm>>) dst(%dma_wait3A_680 : memref<32x768xf32, #tpu.memory_space<vmem>>)
    %add3A_687 = arith.constant 416 : i32
    %add3A_688 = arith.addi %mul3A_2, %add3A_687 : i32
    %dma_start3A_689 = arith.constant 1 : i32
    %dma_start3A_690 = arith.constant 0 : i32
    %dma_start3A_691 = arith.constant 0 : i32
    %dma_start3A_692 = tpu.memref_slice %arg6[%dma_start3A_689, %dma_start3A_690, %dma_start3A_691] : memref<4x32x768xf32, #tpu.memory_space<vmem>> -> memref<1x32x768xf32, #tpu.memory_space<vmem>>
    %dma_start3A_693 = tpu.memref_squeeze %dma_start3A_692 : memref<1x32x768xf32, #tpu.memory_space<vmem>> -> memref<32x768xf32, #tpu.memory_space<vmem>>
    %dma_start3A_694 = arith.constant 0 : i32
    %dma_start3A_695 = tpu.memref_slice %arg4[%add3A_688, %dma_start3A_694] : memref<16384x768xf32, #tpu.memory_space<hbm>> -> memref<32x768xf32, #tpu.memory_space<hbm>>
    %dma_start3A_696 = arith.constant 0 : i32
    %dma_start3A_697 = tpu.memref_slice %arg4[%add3A_688, %dma_start3A_696] : memref<16384x768xf32, #tpu.memory_space<hbm>> -> memref<32x768xf32, #tpu.memory_space<hbm>>
    %dma_start3A_698 = arith.constant 0 : i32
    %dma_start3A_699 = arith.constant 0 : i32
    %dma_start3A_700 = tpu.memref_slice %arg6[%dma_start3A_689, %dma_start3A_698, %dma_start3A_699] : memref<4x32x768xf32, #tpu.memory_space<vmem>> -> memref<1x32x768xf32, #tpu.memory_space<vmem>>
    %dma_start3A_701 = tpu.memref_squeeze %dma_start3A_700 : memref<1x32x768xf32, #tpu.memory_space<vmem>> -> memref<32x768xf32, #tpu.memory_space<vmem>>
    tpu.enqueue_dma source(%dma_start3A_701 : memref<32x768xf32, #tpu.memory_space<vmem>>) target(%dma_start3A_697 : memref<32x768xf32, #tpu.memory_space<hbm>>) target_semaphore(%arg12 : memref<!tpu.dma_semaphore, #tpu.memory_space<semaphore_mem>>)
    %dma_wait3A_702 = arith.constant 3 : i32
    %dma_wait3A_703 = arith.constant 0 : i32
    %dma_wait3A_704 = arith.constant 0 : i32
    %dma_wait3A_705 = tpu.memref_slice %arg6[%dma_wait3A_702, %dma_wait3A_703, %dma_wait3A_704] : memref<4x32x768xf32, #tpu.memory_space<vmem>> -> memref<1x32x768xf32, #tpu.memory_space<vmem>>
    %dma_wait3A_706 = tpu.memref_squeeze %dma_wait3A_705 : memref<1x32x768xf32, #tpu.memory_space<vmem>> -> memref<32x768xf32, #tpu.memory_space<vmem>>
    %dma_wait3A_707 = arith.constant 0 : i32
    %dma_wait3A_708 = tpu.memref_slice %arg4[%add3A_584, %dma_wait3A_707] : memref<16384x768xf32, #tpu.memory_space<hbm>> -> memref<32x768xf32, #tpu.memory_space<hbm>>
    %dma_wait3A_709 = arith.constant 0 : i32
    %dma_wait3A_710 = tpu.memref_slice %arg4[%add3A_584, %dma_wait3A_709] : memref<16384x768xf32, #tpu.memory_space<hbm>> -> memref<32x768xf32, #tpu.memory_space<hbm>>
    %dma_wait3A_711 = arith.constant 0 : i32
    %dma_wait3A_712 = arith.constant 0 : i32
    %dma_wait3A_713 = tpu.memref_slice %arg6[%dma_wait3A_702, %dma_wait3A_711, %dma_wait3A_712] : memref<4x32x768xf32, #tpu.memory_space<vmem>> -> memref<1x32x768xf32, #tpu.memory_space<vmem>>
    %dma_wait3A_714 = tpu.memref_squeeze %dma_wait3A_713 : memref<1x32x768xf32, #tpu.memory_space<vmem>> -> memref<32x768xf32, #tpu.memory_space<vmem>>
    tpu.wait_dma2 semaphore(%arg14 : memref<!tpu.dma_semaphore, #tpu.memory_space<semaphore_mem>>) src(%dma_wait3A_714 : memref<32x768xf32, #tpu.memory_space<vmem>>) dst(%dma_wait3A_710 : memref<32x768xf32, #tpu.memory_space<hbm>>)
    %dma_start3A_715 = arith.constant 15 : i32
    %dma_start3A_716 = arith.constant 3 : i32
    %dma_start3A_717 = arith.constant 0 : i32
    %dma_start3A_718 = arith.constant 0 : i32
    %dma_start3A_719 = tpu.memref_slice %arg6[%dma_start3A_716, %dma_start3A_717, %dma_start3A_718] : memref<4x32x768xf32, #tpu.memory_space<vmem>> -> memref<1x32x768xf32, #tpu.memory_space<vmem>>
    %dma_start3A_720 = tpu.memref_squeeze %dma_start3A_719 : memref<1x32x768xf32, #tpu.memory_space<vmem>> -> memref<32x768xf32, #tpu.memory_space<vmem>>
    %dma_start3A_721 = arith.constant 0 : i32
    %dma_start3A_722 = tpu.memref_slice %arg5[%dma_start3A_715, %dma_start3A_721] : memref<16x32xi32, #tpu.memory_space<vmem>> -> memref<1x32xi32, #tpu.memory_space<vmem>>
    %dma_start3A_723 = tpu.memref_squeeze %dma_start3A_722 : memref<1x32xi32, #tpu.memory_space<vmem>> -> memref<32xi32, #tpu.memory_space<vmem>>
    %dma_start3A_724 = arith.constant 0 : i32
    %dma_start3A_725 = arith.constant 0 : i32
    %dma_start3A_726 = tpu.memref_slice %arg2[%dma_start3A_724, %dma_start3A_725] : memref<65536x768xf32, #tpu.memory_space<hbm>> -> memref<65536x768xf32, #tpu.memory_space<hbm>>
    tpu.enqueue_indirect_dma source(%dma_start3A_726 : memref<65536x768xf32, #tpu.memory_space<hbm>>) target(%dma_start3A_720 : memref<32x768xf32, #tpu.memory_space<vmem>>) offsets(%dma_start3A_723 : memref<32xi32, #tpu.memory_space<vmem>>) semaphore(%arg10 : memref<!tpu.dma_semaphore, #tpu.memory_space<semaphore_mem>>)
    %dma_wait3A_727 = arith.constant 14 : i32
    %dma_wait3A_728 = arith.constant 2 : i32
    %dma_wait3A_729 = arith.constant 0 : i32
    %dma_wait3A_730 = arith.constant 0 : i32
    %dma_wait3A_731 = tpu.memref_slice %arg6[%dma_wait3A_728, %dma_wait3A_729, %dma_wait3A_730] : memref<4x32x768xf32, #tpu.memory_space<vmem>> -> memref<1x32x768xf32, #tpu.memory_space<vmem>>
    %dma_wait3A_732 = tpu.memref_squeeze %dma_wait3A_731 : memref<1x32x768xf32, #tpu.memory_space<vmem>> -> memref<32x768xf32, #tpu.memory_space<vmem>>
    %dma_wait3A_733 = arith.constant 0 : i32
    %dma_wait3A_734 = tpu.memref_slice %arg5[%dma_wait3A_727, %dma_wait3A_733] : memref<16x32xi32, #tpu.memory_space<vmem>> -> memref<1x32xi32, #tpu.memory_space<vmem>>
    %dma_wait3A_735 = tpu.memref_squeeze %dma_wait3A_734 : memref<1x32xi32, #tpu.memory_space<vmem>> -> memref<32xi32, #tpu.memory_space<vmem>>
    %dma_wait3A_736 = arith.constant 0 : i32
    %dma_wait3A_737 = arith.constant 0 : i32
    %dma_wait3A_738 = tpu.memref_slice %arg2[%dma_wait3A_736, %dma_wait3A_737] : memref<65536x768xf32, #tpu.memory_space<hbm>> -> memref<65536x768xf32, #tpu.memory_space<hbm>>
    tpu.wait_indirect_dma semaphore(%arg9 : memref<!tpu.dma_semaphore, #tpu.memory_space<semaphore_mem>>) src(%dma_wait3A_738 : memref<65536x768xf32, #tpu.memory_space<hbm>>) dst(%dma_wait3A_732 : memref<32x768xf32, #tpu.memory_space<vmem>>)
    %add3A_739 = arith.constant 448 : i32
    %add3A_740 = arith.addi %mul3A_2, %add3A_739 : i32
    %dma_start3A_741 = arith.constant 2 : i32
    %dma_start3A_742 = arith.constant 0 : i32
    %dma_start3A_743 = arith.constant 0 : i32
    %dma_start3A_744 = tpu.memref_slice %arg6[%dma_start3A_741, %dma_start3A_742, %dma_start3A_743] : memref<4x32x768xf32, #tpu.memory_space<vmem>> -> memref<1x32x768xf32, #tpu.memory_space<vmem>>
    %dma_start3A_745 = tpu.memref_squeeze %dma_start3A_744 : memref<1x32x768xf32, #tpu.memory_space<vmem>> -> memref<32x768xf32, #tpu.memory_space<vmem>>
    %dma_start3A_746 = arith.constant 0 : i32
    %dma_start3A_747 = tpu.memref_slice %arg4[%add3A_740, %dma_start3A_746] : memref<16384x768xf32, #tpu.memory_space<hbm>> -> memref<32x768xf32, #tpu.memory_space<hbm>>
    %dma_start3A_748 = arith.constant 0 : i32
    %dma_start3A_749 = tpu.memref_slice %arg4[%add3A_740, %dma_start3A_748] : memref<16384x768xf32, #tpu.memory_space<hbm>> -> memref<32x768xf32, #tpu.memory_space<hbm>>
    %dma_start3A_750 = arith.constant 0 : i32
    %dma_start3A_751 = arith.constant 0 : i32
    %dma_start3A_752 = tpu.memref_slice %arg6[%dma_start3A_741, %dma_start3A_750, %dma_start3A_751] : memref<4x32x768xf32, #tpu.memory_space<vmem>> -> memref<1x32x768xf32, #tpu.memory_space<vmem>>
    %dma_start3A_753 = tpu.memref_squeeze %dma_start3A_752 : memref<1x32x768xf32, #tpu.memory_space<vmem>> -> memref<32x768xf32, #tpu.memory_space<vmem>>
    tpu.enqueue_dma source(%dma_start3A_753 : memref<32x768xf32, #tpu.memory_space<vmem>>) target(%dma_start3A_749 : memref<32x768xf32, #tpu.memory_space<hbm>>) target_semaphore(%arg13 : memref<!tpu.dma_semaphore, #tpu.memory_space<semaphore_mem>>)
    %dma_wait3A_754 = arith.constant 15 : i32
    %dma_wait3A_755 = arith.constant 3 : i32
    %dma_wait3A_756 = arith.constant 0 : i32
    %dma_wait3A_757 = arith.constant 0 : i32
    %dma_wait3A_758 = tpu.memref_slice %arg6[%dma_wait3A_755, %dma_wait3A_756, %dma_wait3A_757] : memref<4x32x768xf32, #tpu.memory_space<vmem>> -> memref<1x32x768xf32, #tpu.memory_space<vmem>>
    %dma_wait3A_759 = tpu.memref_squeeze %dma_wait3A_758 : memref<1x32x768xf32, #tpu.memory_space<vmem>> -> memref<32x768xf32, #tpu.memory_space<vmem>>
    %dma_wait3A_760 = arith.constant 0 : i32
    %dma_wait3A_761 = tpu.memref_slice %arg5[%dma_wait3A_754, %dma_wait3A_760] : memref<16x32xi32, #tpu.memory_space<vmem>> -> memref<1x32xi32, #tpu.memory_space<vmem>>
    %dma_wait3A_762 = tpu.memref_squeeze %dma_wait3A_761 : memref<1x32xi32, #tpu.memory_space<vmem>> -> memref<32xi32, #tpu.memory_space<vmem>>
    %dma_wait3A_763 = arith.constant 0 : i32
    %dma_wait3A_764 = arith.constant 0 : i32
    %dma_wait3A_765 = tpu.memref_slice %arg2[%dma_wait3A_763, %dma_wait3A_764] : memref<65536x768xf32, #tpu.memory_space<hbm>> -> memref<65536x768xf32, #tpu.memory_space<hbm>>
    tpu.wait_indirect_dma semaphore(%arg10 : memref<!tpu.dma_semaphore, #tpu.memory_space<semaphore_mem>>) src(%dma_wait3A_765 : memref<65536x768xf32, #tpu.memory_space<hbm>>) dst(%dma_wait3A_759 : memref<32x768xf32, #tpu.memory_space<vmem>>)
    %add3A_766 = arith.constant 480 : i32
    %add3A_767 = arith.addi %mul3A_2, %add3A_766 : i32
    %dma_start3A_768 = arith.constant 3 : i32
    %dma_start3A_769 = arith.constant 0 : i32
    %dma_start3A_770 = arith.constant 0 : i32
    %dma_start3A_771 = tpu.memref_slice %arg6[%dma_start3A_768, %dma_start3A_769, %dma_start3A_770] : memref<4x32x768xf32, #tpu.memory_space<vmem>> -> memref<1x32x768xf32, #tpu.memory_space<vmem>>
    %dma_start3A_772 = tpu.memref_squeeze %dma_start3A_771 : memref<1x32x768xf32, #tpu.memory_space<vmem>> -> memref<32x768xf32, #tpu.memory_space<vmem>>
    %dma_start3A_773 = arith.constant 0 : i32
    %dma_start3A_774 = tpu.memref_slice %arg4[%add3A_767, %dma_start3A_773] : memref<16384x768xf32, #tpu.memory_space<hbm>> -> memref<32x768xf32, #tpu.memory_space<hbm>>
    %dma_start3A_775 = arith.constant 0 : i32
    %dma_start3A_776 = tpu.memref_slice %arg4[%add3A_767, %dma_start3A_775] : memref<16384x768xf32, #tpu.memory_space<hbm>> -> memref<32x768xf32, #tpu.memory_space<hbm>>
    %dma_start3A_777 = arith.constant 0 : i32
    %dma_start3A_778 = arith.constant 0 : i32
    %dma_start3A_779 = tpu.memref_slice %arg6[%dma_start3A_768, %dma_start3A_777, %dma_start3A_778] : memref<4x32x768xf32, #tpu.memory_space<vmem>> -> memref<1x32x768xf32, #tpu.memory_space<vmem>>
    %dma_start3A_780 = tpu.memref_squeeze %dma_start3A_779 : memref<1x32x768xf32, #tpu.memory_space<vmem>> -> memref<32x768xf32, #tpu.memory_space<vmem>>
    tpu.enqueue_dma source(%dma_start3A_780 : memref<32x768xf32, #tpu.memory_space<vmem>>) target(%dma_start3A_776 : memref<32x768xf32, #tpu.memory_space<hbm>>) target_semaphore(%arg14 : memref<!tpu.dma_semaphore, #tpu.memory_space<semaphore_mem>>)
    %dma_wait3A_781 = arith.constant 0 : i32
    %dma_wait3A_782 = arith.constant 0 : i32
    %dma_wait3A_783 = arith.constant 0 : i32
    %dma_wait3A_784 = tpu.memref_slice %arg6[%dma_wait3A_781, %dma_wait3A_782, %dma_wait3A_783] : memref<4x32x768xf32, #tpu.memory_space<vmem>> -> memref<1x32x768xf32, #tpu.memory_space<vmem>>
    %dma_wait3A_785 = tpu.memref_squeeze %dma_wait3A_784 : memref<1x32x768xf32, #tpu.memory_space<vmem>> -> memref<32x768xf32, #tpu.memory_space<vmem>>
    %dma_wait3A_786 = arith.constant 0 : i32
    %dma_wait3A_787 = tpu.memref_slice %arg4[%add3A_636, %dma_wait3A_786] : memref<16384x768xf32, #tpu.memory_space<hbm>> -> memref<32x768xf32, #tpu.memory_space<hbm>>
    %dma_wait3A_788 = arith.constant 0 : i32
    %dma_wait3A_789 = tpu.memref_slice %arg4[%add3A_636, %dma_wait3A_788] : memref<16384x768xf32, #tpu.memory_space<hbm>> -> memref<32x768xf32, #tpu.memory_space<hbm>>
    %dma_wait3A_790 = arith.constant 0 : i32
    %dma_wait3A_791 = arith.constant 0 : i32
    %dma_wait3A_792 = tpu.memref_slice %arg6[%dma_wait3A_781, %dma_wait3A_790, %dma_wait3A_791] : memref<4x32x768xf32, #tpu.memory_space<vmem>> -> memref<1x32x768xf32, #tpu.memory_space<vmem>>
    %dma_wait3A_793 = tpu.memref_squeeze %dma_wait3A_792 : memref<1x32x768xf32, #tpu.memory_space<vmem>> -> memref<32x768xf32, #tpu.memory_space<vmem>>
    tpu.wait_dma2 semaphore(%arg11 : memref<!tpu.dma_semaphore, #tpu.memory_space<semaphore_mem>>) src(%dma_wait3A_793 : memref<32x768xf32, #tpu.memory_space<vmem>>) dst(%dma_wait3A_789 : memref<32x768xf32, #tpu.memory_space<hbm>>)
    %dma_wait3A_794 = arith.constant 1 : i32
    %dma_wait3A_795 = arith.constant 0 : i32
    %dma_wait3A_796 = arith.constant 0 : i32
    %dma_wait3A_797 = tpu.memref_slice %arg6[%dma_wait3A_794, %dma_wait3A_795, %dma_wait3A_796] : memref<4x32x768xf32, #tpu.memory_space<vmem>> -> memref<1x32x768xf32, #tpu.memory_space<vmem>>
    %dma_wait3A_798 = tpu.memref_squeeze %dma_wait3A_797 : memref<1x32x768xf32, #tpu.memory_space<vmem>> -> memref<32x768xf32, #tpu.memory_space<vmem>>
    %dma_wait3A_799 = arith.constant 0 : i32
    %dma_wait3A_800 = tpu.memref_slice %arg4[%add3A_688, %dma_wait3A_799] : memref<16384x768xf32, #tpu.memory_space<hbm>> -> memref<32x768xf32, #tpu.memory_space<hbm>>
    %dma_wait3A_801 = arith.constant 0 : i32
    %dma_wait3A_802 = tpu.memref_slice %arg4[%add3A_688, %dma_wait3A_801] : memref<16384x768xf32, #tpu.memory_space<hbm>> -> memref<32x768xf32, #tpu.memory_space<hbm>>
    %dma_wait3A_803 = arith.constant 0 : i32
    %dma_wait3A_804 = arith.constant 0 : i32
    %dma_wait3A_805 = tpu.memref_slice %arg6[%dma_wait3A_794, %dma_wait3A_803, %dma_wait3A_804] : memref<4x32x768xf32, #tpu.memory_space<vmem>> -> memref<1x32x768xf32, #tpu.memory_space<vmem>>
    %dma_wait3A_806 = tpu.memref_squeeze %dma_wait3A_805 : memref<1x32x768xf32, #tpu.memory_space<vmem>> -> memref<32x768xf32, #tpu.memory_space<vmem>>
    tpu.wait_dma2 semaphore(%arg12 : memref<!tpu.dma_semaphore, #tpu.memory_space<semaphore_mem>>) src(%dma_wait3A_806 : memref<32x768xf32, #tpu.memory_space<vmem>>) dst(%dma_wait3A_802 : memref<32x768xf32, #tpu.memory_space<hbm>>)
    %dma_wait3A_807 = arith.constant 2 : i32
    %dma_wait3A_808 = arith.constant 0 : i32
    %dma_wait3A_809 = arith.constant 0 : i32
    %dma_wait3A_810 = tpu.memref_slice %arg6[%dma_wait3A_807, %dma_wait3A_808, %dma_wait3A_809] : memref<4x32x768xf32, #tpu.memory_space<vmem>> -> memref<1x32x768xf32, #tpu.memory_space<vmem>>
    %dma_wait3A_811 = tpu.memref_squeeze %dma_wait3A_810 : memref<1x32x768xf32, #tpu.memory_space<vmem>> -> memref<32x768xf32, #tpu.memory_space<vmem>>
    %dma_wait3A_812 = arith.constant 0 : i32
    %dma_wait3A_813 = tpu.memref_slice %arg4[%add3A_740, %dma_wait3A_812] : memref<16384x768xf32, #tpu.memory_space<hbm>> -> memref<32x768xf32, #tpu.memory_space<hbm>>
    %dma_wait3A_814 = arith.constant 0 : i32
    %dma_wait3A_815 = tpu.memref_slice %arg4[%add3A_740, %dma_wait3A_814] : memref<16384x768xf32, #tpu.memory_space<hbm>> -> memref<32x768xf32, #tpu.memory_space<hbm>>
    %dma_wait3A_816 = arith.constant 0 : i32
    %dma_wait3A_817 = arith.constant 0 : i32
    %dma_wait3A_818 = tpu.memref_slice %arg6[%dma_wait3A_807, %dma_wait3A_816, %dma_wait3A_817] : memref<4x32x768xf32, #tpu.memory_space<vmem>> -> memref<1x32x768xf32, #tpu.memory_space<vmem>>
    %dma_wait3A_819 = tpu.memref_squeeze %dma_wait3A_818 : memref<1x32x768xf32, #tpu.memory_space<vmem>> -> memref<32x768xf32, #tpu.memory_space<vmem>>
    tpu.wait_dma2 semaphore(%arg13 : memref<!tpu.dma_semaphore, #tpu.memory_space<semaphore_mem>>) src(%dma_wait3A_819 : memref<32x768xf32, #tpu.memory_space<vmem>>) dst(%dma_wait3A_815 : memref<32x768xf32, #tpu.memory_space<hbm>>)
    %dma_wait3A_820 = arith.constant 3 : i32
    %dma_wait3A_821 = arith.constant 0 : i32
    %dma_wait3A_822 = arith.constant 0 : i32
    %dma_wait3A_823 = tpu.memref_slice %arg6[%dma_wait3A_820, %dma_wait3A_821, %dma_wait3A_822] : memref<4x32x768xf32, #tpu.memory_space<vmem>> -> memref<1x32x768xf32, #tpu.memory_space<vmem>>
    %dma_wait3A_824 = tpu.memref_squeeze %dma_wait3A_823 : memref<1x32x768xf32, #tpu.memory_space<vmem>> -> memref<32x768xf32, #tpu.memory_space<vmem>>
    %dma_wait3A_825 = arith.constant 0 : i32
    %dma_wait3A_826 = tpu.memref_slice %arg4[%add3A_767, %dma_wait3A_825] : memref<16384x768xf32, #tpu.memory_space<hbm>> -> memref<32x768xf32, #tpu.memory_space<hbm>>
    %dma_wait3A_827 = arith.constant 0 : i32
    %dma_wait3A_828 = tpu.memref_slice %arg4[%add3A_767, %dma_wait3A_827] : memref<16384x768xf32, #tpu.memory_space<hbm>> -> memref<32x768xf32, #tpu.memory_space<hbm>>
    %dma_wait3A_829 = arith.constant 0 : i32
    %dma_wait3A_830 = arith.constant 0 : i32
    %dma_wait3A_831 = tpu.memref_slice %arg6[%dma_wait3A_820, %dma_wait3A_829, %dma_wait3A_830] : memref<4x32x768xf32, #tpu.memory_space<vmem>> -> memref<1x32x768xf32, #tpu.memory_space<vmem>>
    %dma_wait3A_832 = tpu.memref_squeeze %dma_wait3A_831 : memref<1x32x768xf32, #tpu.memory_space<vmem>> -> memref<32x768xf32, #tpu.memory_space<vmem>>
    tpu.wait_dma2 semaphore(%arg14 : memref<!tpu.dma_semaphore, #tpu.memory_space<semaphore_mem>>) src(%dma_wait3A_832 : memref<32x768xf32, #tpu.memory_space<vmem>>) dst(%dma_wait3A_828 : memref<32x768xf32, #tpu.memory_space<hbm>>)
    return
  }
}

</mosaic_0001>

<sc_bundles>
// kernel: gather_offload_async_start
scs
__scs_entry_jumppad:
0x0: {  	(pc) =	sbr.rel $0x88, $3  }
0x1: {  	(tag) =	ssettag $0x0;
	lr =	simm.s32 $0x1  }
0x2: {  	[smem:$0x3FA0] =	sst lr;
	_ =	strace $0xD0000000  }
0x3: {  	_ = 	snop  }
0x4: {  	_ = 	snop  }
0x5: {  	_ = 	snop  }
0x6: {  	_ = 	snop  }
0x7: {  	_ = 	snop  }
__scs_overlays_trampoline_lowered:
0x8: {  	[smem:$0x3FAF] =	sst s0  }
0x9: {  	[smem:$0x3FB0] =	sst s1  }
0xa: {  	[smem:$0x3FB1] =	sst s2  }
0xb: {  	[smem:$0x3FB2] =	sst s3  }
0xc: {  	[smem:$0x3FB3] =	sst s4  }
0xd: {  	[smem:$0x3FB4] =	sst s5  }
0xe: {  	[smem:$0x3FB5] =	sst s6  }
0xf: {  	[smem:$0x3FB6] =	sst s7  }
0x10: {  	[smem:$0x3FB7] =	sst s8  }
0x11: {  	[smem:$0x3FB8] =	sst s9;
	s0 =	simm.s32 @!p0 $0x0  }
0x12: {  	s1 =	sld [smem:$0x3F9E];
	s0 =	simm.s32 @p0 $0x1  }
0x13: {  	[smem:$0x3FB9] =	sst s0;
	s0 =	simm.s32 @!p1 $0x0  }
0x14: {  	s2 =	sld [smem:$0x3F9D];
	s0 =	simm.s32 @p1 $0x1  }
0x15: {  	[smem:$0x3FBA] =	sst s0;
	s0 =	simm.s32 @!p2 $0x0  }
0x16: {  	s3 =	sld [smem:$0x3FDB];
	s0 =	simm.s32 @p2 $0x1  }
0x17: {  	s4 =	simm.s32 $0x1BF5;
	[smem:$0x3FBC] =	sst s0  }
0x18: {  	s0 =	sld [smem:$0x3F9F];
	_ =	swait.ge [sflag:s4], $0x0  }
0x19: {  	s7 =	sld [smem:$0x3FA0]  }
0x1a: {  	s8 =	sadd.s32 $0xFFFFE003, lr  }
0x1b: {  	s9 =	sadd.s32 $0xFFFFFEF7, lr;
	s5 =	simm.s32 $0xFFFFFFFF;
	p2 =	slt.u32 s8, $0xFFFFF086  }
0x1c: {  	p1 =	slt.u32 s9, $0xF7A;
	s5 =	simm.s32 @!p2 $0x0  }
0x1d: {  	s5 =	simm.s32 @p1 $0x1;
	p0 =	seq.s32 s7, s2  }
0x1e: {  	s7 =	smul.u32 @!p0 $0xF7A, s2;
	p2 =	seq.s32 @!p0 s5, $0x0  }
0x1f: {  	s9 =	smul.u32 $0xF7A, s1;
	s8 =	simm.s32 @!p0 $0x1BF5;
	p2 =	por !p2, p0  }
0x20: {  	[sflag:s8] =	ssyncset.s32 @!p0 $0xFFFFF086;
	s6 =	sadd.s32 @!p0 s3, s7;
	s7 =	simm.s32 @!p0 $0x108  }
0x21: {  	s3 =	sadd.s32 s3, s9;
	s6 =	sadd.s32 @!p0 $0x88, s6;
	s7 =	simm.s32 @p2 $0x1082  }
0x22: {  	[simem:s7], [sflag:s8] =	dma.local @!p0 [hbm:s6], $0xF7A  }
0x23: {  	s9 =	sor.u32 $0xD0000000, s2;
	s6 =	simm.s32 $0x108;
	_ =	swait.ge @!p0 [sflag:s8], $0x0  }
0x24: {  	s3 =	sadd.s32 $0x88, s3;
	s6 =	simm.s32 @!p1 $0x1082;
	[sflag:s4] =	ssyncset.s32 $0xFFFFF086  }
0x25: {  	[simem:s6], [sflag:s4] =	dma.local [hbm:s3], $0xF7A  }
0x26: {  	[smem:$0x3FA0] =	sst s1;
	(tag) =	ssettag s2;
	_ =	strace s9  }
0x27: {  	s1 =	sld [smem:$0x3FB0]  }
0x28: {  	s2 =	sld [smem:$0x3FB1]  }
0x29: {  	s4 =	sld [smem:$0x3FB3]  }
0x2a: {  	p0 =	seq.s32 s5, $0x0;
	s5 =	sld [smem:$0x3FB4]  }
0x2b: {  	s6 =	sld [smem:$0x3FB5]  }
0x2c: {  	s7 =	sld [smem:$0x3FB6]  }
0x2d: {  	s3 =	simm.s32 $0x108;
	s8 =	sld [smem:$0x3FB7]  }
0x2e: {  	s3 =	simm.s32 @!p0 $0x1082;
	s9 =	sld [smem:$0x3FB8]  }
0x2f: {  	lr =	sadd.s32 s0, s3;
	s0 =	sld [smem:$0x3FAF]  }
0x30: {  	s3 =	sld [smem:$0x3FB2]  }
0x31: {  	[smem:$0x3FBB] =	sst s10  }
0x32: {  	s10 =	sld [smem:$0x3FB9];
	_ =	sdelay $0x3  }
0x33: {  	p0 =	seq.s32 s10, $0x1;
	s10 =	sld [smem:$0x3FBB];
	_ =	sdelay $0x3  }
0x34: {  	[smem:$0x3FBB] =	sst s10  }
0x35: {  	s10 =	sld [smem:$0x3FBA];
	_ =	sdelay $0x3  }
0x36: {  	p1 =	seq.s32 s10, $0x1;
	s10 =	sld [smem:$0x3FBB];
	_ =	sdelay $0x3  }
0x37: {  	[smem:$0x3FBB] =	sst s10  }
0x38: {  	s10 =	sld [smem:$0x3FBC]  }
0x39: {  	_ = 	snop;
	(pc) =	sbr.ind lr, $3  }
0x3a: {  	_ = 	snop  }
0x3b: {  	_ = 	snop  }
0x3c: {  	p2 =	seq.s32 s10, $0x1;
	s10 =	sld [smem:$0x3FBB]  }
0x3d: {  	_ =	shalt  }
0x3e: {  	_ =	shalt  }
0x3f: {  	_ =	shalt  }
0x40: {  	_ =	shalt  }
0x41: {  	_ =	shalt  }
0x42: {  	_ =	shalt  }
0x43: {  	_ =	shalt  }
0x44: {  	_ =	shalt  }
0x45: {  	_ =	shalt  }
0x46: {  	_ =	shalt  }
0x47: {  	_ =	shalt  }
0x48: {  	_ =	shalt  }
0x49: {  	_ =	shalt  }
0x4a: {  	_ =	shalt  }
0x4b: {  	_ =	shalt  }
0x4c: {  	_ =	shalt  }
0x4d: {  	_ =	shalt  }
0x4e: {  	_ =	shalt  }
0x4f: {  	_ =	shalt  }
0x50: {  	_ =	shalt  }
0x51: {  	_ =	shalt  }
0x52: {  	_ =	shalt  }
0x53: {  	_ =	shalt  }
0x54: {  	_ =	shalt  }
0x55: {  	_ =	shalt  }
0x56: {  	_ =	shalt  }
0x57: {  	_ =	shalt  }
0x58: {  	_ =	shalt  }
0x59: {  	_ =	shalt  }
0x5a: {  	_ =	shalt  }
0x5b: {  	_ =	shalt  }
0x5c: {  	_ =	shalt  }
0x5d: {  	_ =	shalt  }
0x5e: {  	_ =	shalt  }
0x5f: {  	_ =	shalt  }
0x60: {  	_ =	shalt  }
0x61: {  	_ =	shalt  }
0x62: {  	_ =	shalt  }
0x63: {  	_ =	shalt  }
0x64: {  	_ =	shalt  }
0x65: {  	_ =	shalt  }
0x66: {  	_ =	shalt  }
0x67: {  	_ =	shalt  }
0x68: {  	_ =	shalt  }
0x69: {  	_ =	shalt  }
0x6a: {  	_ =	shalt  }
0x6b: {  	_ =	shalt  }
0x6c: {  	_ =	shalt  }
0x6d: {  	_ =	shalt  }
0x6e: {  	_ =	shalt  }
0x6f: {  	_ =	shalt  }
0x70: {  	_ =	shalt  }
0x71: {  	_ =	shalt  }
0x72: {  	_ =	shalt  }
0x73: {  	_ =	shalt  }
0x74: {  	_ =	shalt  }
0x75: {  	_ =	shalt  }
0x76: {  	_ =	shalt  }
0x77: {  	_ =	shalt  }
0x78: {  	_ =	shalt  }
0x79: {  	_ =	shalt  }
0x7a: {  	_ =	shalt  }
0x7b: {  	_ =	shalt  }
0x7c: {  	_ =	shalt  }
0x7d: {  	_ =	shalt  }
0x7e: {  	_ =	shalt  }
0x7f: {  	_ =	shalt  }
0x80: {  	_ =	shalt  }
0x81: {  	_ =	shalt  }
0x82: {  	_ =	shalt  }
0x83: {  	_ =	shalt  }
0x84: {  	_ =	shalt  }
0x85: {  	_ =	shalt  }
0x86: {  	_ =	shalt  }
0x87: {  	_ =	shalt  }
.Lfunc_end0:
.L_simem_size_0:
called_computation_lowered:
.L_overlay_start_0:
0x88: {  	s2 =	sld [smem:$0x3FD9]  }
0x89: {  	s3 =	sld [smem:$0x3FFE];
	_ =	sdelay $0x1  }
0x8a: {  	s1 =	srdreg.scid  }
0x8b: {  	s0 =	sand.u32 $0x1, s1  }
0x8c: {  	s14 =	sshll.u32 s0, $0xA;
	s2 =	sadd.s32 s3, s2  }
0x8d: {  	s2 =	sadd.s32 s2, s14  }
0x8e: {  	[smem:$0x3FC7] =	sst s2  }
0x8f: {  	_ = 	snop  }
0x90: {  	s2 =	sld [smem:$0x3FD0];
	_ =	sdelay $0x2  }
0x91: {  	s15 =	simm.s32 $0xB;
	s4 =	simm.s32 $0x10  }
0x92: {  	[smem:s4], [sflag:s15] =	dma.local [hbm:s2], $0x1  }
0x93: {  	_ =	swait.eq [sflag:s15], $0x1  }
0x94: {  	[sflag:s15] =	ssyncset.done $0x0  }
0x95: {  	[sflag:s15] =	ssyncadd.s32 $0xFFFFFFFF  }
0x96: {  	s16 =	sld [smem:$0x11];
	(tm) =	ssettm $0x1  }
0x97: {  	s17 =	sld [smem:$0x3FFB];
	_ =	sdelay $0x3  }
0x98: {  	_ =	strace s17  }
0x99: {  	s3 =	sld [smem:$0x3FFC];
	_ =	sdelay $0x3  }
0x9a: {  	_ =	strace s3  }
0x9b: {  	s3 =	sld [smem:$0x3FFD];
	_ =	sdelay $0x3  }
0x9c: {  	_ =	strace s3  }
0x9d: {  	_ =	strace $0x8FFFFFFF  }
0x9e: {  	s18 =	sld [smem:$0x3FDB];
	_ =	sdelay $0x1  }
0x9f: {  	s19 =	simm.s32 $_scs_section_size  }
0xa0: {  	s5 =	simm.s32 $_size__tile_overlayer_lowered;
	s6 =	simm.s32 $_tile_overlayer_lowered  }
0xa1: {  	s22 =	simm.s32 $0x1BFF;
	s21 =	sshll.u32 s6, $0x1;
	s3 =	sadd.s32 s19, s18  }
0xa2: {  	s7 =	simm.s32 $0x0;
	s20 =	sshll.u32 s5, $0x1;
	s5 =	sadd.s32 s21, s3  }
0xa3: {  	[timem:s7], [sflag:s22] =	dma.local [hbm:s5], s20  }
0xa4: {  	_ =	swait.ge [sflag:s22], s20  }
0xa5: {  	s4 =	ssub.s32 $0x0, s20;
	[sflag:s22] =	ssyncset.done $0x0  }
0xa6: {  	[sflag:s22] =	ssyncadd.s32 s4;
	_ =	sdelay $0x1  }
0xa7: {  	s23 =	simm.s32 $0x1B8B  }
0xa8: {  	_ =	swait.ge [sflag:s23], $0x1  }
0xa9: {  	[sflag:s23] =	ssyncset.done $0x0  }
0xaa: {  	s25 =	simm.s32 $0x1B8E;
	s24 =	sld [smem:$0x3FFE];
	[sflag:s23] =	ssyncadd.s32 $0xFFFFFFFF  }
0xab: {  	s26 =	simm.s32 $execute0_lowered;
	[smem:$0x3FD2] =	sst s25  }
0xac: {  	s5 =	sshll.u32 s26, $0x1;
	_ =	strace $0x80000046;
	[dreg:$0x1] =	wrdreg $0xFFFFFFFF  }
0xad: {  	s28 =	simm.s32 $_size_execute0_lowered;
	s3 =	sadd.s32 s3, s5;
	[dreg:$0x0] =	wrdreg $0x0  }
0xae: {  	s5 =	sshll.u32 s28, $0x1;
	[dreg:$0x2] =	wrdreg s3  }
0xaf: {  	[dreg:$0x3] =	wrdreg s5  }
0xb0: {  	[dreg:$0x4] =	wrdreg $0xC0  }
0xb1: {  	_ =	task [dreg:s7], $0x5FFFF  }
0xb2: {  	[dreg:$0x1] =	wrdreg $0xFFFFFFFF  }
0xb3: {  	[dreg:$0x0] =	wrdreg $0x60  }
0xb4: {  	[dreg:$0x2] =	wrdreg s16  }
0xb5: {  	[dreg:$0x3] =	wrdreg s24  }
0xb6: {  	[dreg:$0x4] =	wrdreg $0x9  }
0xb7: {  	_ =	task.clear_ibuf [dreg:s7], $0x5FFFF;
	_ =	strace $0x90000046  }
0xb8: {  	s29 =	simm.s32 $0x9;
	_ =	strace $0x80000048  }
0xb9: {  	_ =	swait.ge [sflag:s29], $0x1  }
0xba: {  	[sflag:s29] =	ssyncadd.s32 $0xFFFFFFFF  }
0xbb: {  	_ =	strace $0x90000048  }
0xbc: {  	_ =	sfence  }
0xbd: {  	s30 =	sld [smem:$0x0];
	_ =	sdelay $0x2  }
0xbe: {  	s31 =	sshll.u32 s1, $0xD;
	s1 =	sshrl.u32 s1, $0x2  }
0xbf: {  	s3 =	sand.u32 $0x4000, s31;
	s1 =	sadd.s32 s1, s30  }
0xc0: {  	s0 =	sor.u32 s3, s0;
	s1 =	sshll.u32 s1, $0x11  }
0xc1: {  	s0 =	sor.u32 s1, s0  }
0xc2: {  	s0 =	sadd.s32 $0x8F2B, s0  }
0xc3: {  	[sflag:s0] =	ssyncadd.remote.s32 $0x1  }
0xc4: {  	_ =	sfence.sel $0xFFFF  }
0xc5: {  	[dreg:$0x0] =	wrdreg $0xFFFFFFFF;
	(pc) =	sbr.abs _section_cstart, $3  }
0xc6: {  	[dreg:$0x1] =	wrdreg $0xFFFFFFFF  }
0xc7: {  	_ =	task.clear_ibuf [dreg:s7], $0x2FFFF;
	_ =	strace $0x9FFFFFFF  }
0xc8: {  	(tm) =	ssettm $0x7FFFFFFF  }
0xc9: {  	_ =	shalt  }
tec
execute0_lowered:
.L_overlay_start_1:
0x0: {  	(tag) =	ssettag $0x1  }
0x1: {  	s1 =	srdreg.scid;
	s2 =	rddreg [dreg:$0x0]  }
0x2: {  	s0 =	stileid.u32;
	s5 =	rddreg [dreg:$0x1];
	s6 =	simm.s32 $0x1  }
0x3: {  	s9 =	simm.s32 $0x1;
	s10 =	simm.s32 $0x3;
	s1 =	sshll.u32 s1, $0xA  }
0x4: {  	s13 =	simm.s32 $0x0;
	s3 =	sshll.u32 s0, $0xB;
	s4 =	sand.u32 $0x400, s1  }
0x5: {  	s12 =	simm.s32 $0x0;
	s1 =	rddreg [dreg:$0x2];
	s3 =	sor.u32 s3, s4  }
0x6: {  	_ =	strace $0x80000047;
	s4 =	sadd.s32 $0x2000, s5;
	s8 =	ssub.s32 $0x10000, s3  }
.Ltmp0:
0x7: {  	s5 =	sadd.s32 $0x4000, s5;
	s7 =	sand.u32 $0x7C00, s8;
	(pc) =	sbr.rel .LBB2_1-.Ltmp0, $4  }
0x8: {  	[sflag:s6] =	ssyncpa.u1 $0x0;
	s11 =	smov.u32 s3;
	p0 =	sne.s32 s7, $0x0  }
0x9: {  	s8 =	sshrl.u32 s8, $0xF;
	s7 =	simm.s32 $0x2;
	s9 =	simm.s32 @!p0 $0x0  }
0xa: {  	[sflag:s7] =	ssyncpa.u1 $0x0;
	p0 =	por $0x0, $0x0;
	s8 =	sadd.s32 s9, s8  }
0xb: {  	vm0 =	vmmov $0xffff;
	[sflag:s10] =	ssyncpa.u1 $0x0;
	s10 =	simm.s32 $0x0;
	s9 =	sadd.s32 $0x1, s8  }
.LBB2_4:
0xc: {  	vm1 =	veq.s32 v0, $0x80000000;
	v63 =	vand.u32 $0x3F, v0;
	v2 =	vand.u32 $0x3FF, v2  }
0xd: {  	v0 =	vsel vm1, $0xFFFFFFFF, v63;
	v2 =	vsel vm1, $0xFFFFFFFF, v2  }
0xe: {  	v3 =	vshll.u32 v0, $0xA;
	v4 =	vshll.u32 v2, $0x3  }
0xf: {  	v0 =	vshll.u32 v0, $0x7;
	v3 =	vand.u32 $0xFFFFE000, v3;
	v4 =	vand.u32 $0xFFFFFC00, v4  }
0x10: {  	v0 =	vand.u32 $0x380, v0;
	v3 =	vadd.s32 v3, v4  }
0x11: {  	v2 =	vand.u32 $0x7F, v2;
	v0 =	vor.u32 v0, v3  }
0x12: {  	v0 =	vor.u32 v2, v0;
	_ =	sdelay $0x1  }
0x13: {  	(ifvalue) =	ssetifvalue $0x7FFFFFFF;
	s14 =	sadd.s32 $0x10, s14  }
0x14: {  	[tilespmem:s14], [sflag:$0x1] =	stream.indirect_vreg.gather [hbm4b:s2+s10], $0x1, v1, vm0, $0x4038;
	[tilespmem:$0x1000] =	vst v63  }
0x15: {  	(ifvalue) =	ssetifvalue $0x7FFFFFFF;
	s14 =	sadd.s32 $0x10, s14  }
0x16: {  	[tilespmem:s14], [sflag:$0x1] =	stream.indirect_vreg.gather [hbm4b:s2+s10], $0x1, v0, vm0, $0x4038;
	[tilespmem:$0x1000] =	vst v63  }
0x17: {  	_ =	swait.ge [sflag:s6], $0x400  }
0x18: {  	s30 =	sshrl.u32 s13, $0x3;
	[sflag:s6] =	ssyncset.done $0x0  }
0x19: {  	s31 =	sand.u32 $0x7, s13;
	s14 =	sadd.s32 s5, s30;
	[sflag:s6] =	ssyncadd.s32 $0xFFFFFC00  }
0x1a: {  	[hbm4b:s14+s31] =	stream.linear.scatter [tilespmem:s15], [sflag:$0x3], $0x400, $0x38;
	[tilespmem:$0x1000] =	vst v63  }
.LBB2_5:
0x1b: {  	s15 =	sadd.s32 $0x8000, s11  }
0x1c: {  	p2 =	sgt.s32 s15, $0xFFFF  }
0x1d: {  	s15 =	smov.u32 @p2 s3;
	p2 =	sne.s32 s12, s9  }
.Ltmp1:
0x1e: {  	p1 =	slt.u32 s12, $0x2;
	(pc) =	sbr.rel @!p2 .LBB2_6-.Ltmp1, $4  }
0x1f: {  	s14 =	simm.s32 @!p1 $0x3  }
0x20: {  	s16 =	sadd.s32 $0x1, s12;
	_ =	swait.ge @!p1 [sflag:s14], $0x400  }
0x21: {  	s13 =	smov.u32 s11;
	p0 =	por !p0, !p0;
	[sflag:s14] =	ssyncset.done @!p1 $0x0  }
0x22: {  	s12 =	smov.u32 s16;
	s11 =	smov.u32 s15;
	[sflag:s14] =	ssyncadd.s32 @!p1 $0xFFFFFC00  }
.LBB2_1:
0x23: {  	p1 =	sge.u32 s12, s8  }
0x24: {  	s14 =	sxor.u32 @!p1 $0xFFFFFFFF, s12  }
0x25: {  	s31 =	sadd.s32 $0xFFFFFFFF, s12;
	s15 =	sshrl.u32 @!p1 s11, $0x3;
	s14 =	sshll.u32 @!p1 s14, $0xA  }
0x26: {  	s16 =	sand.u32 @!p1 $0x7, s11;
	s15 =	sadd.s32 @!p1 s4, s15;
	s14 =	sand.u32 @!p1 $0x400, s14  }
0x27: {  	[tilespmem:s14], [sflag:$0x2] =	stream.linear.gather @!p1 [hbm4b:s15+s16], $0x400, $0x38;
	[tilespmem:$0x1000] =	vst v63  }
0x28: {  	p1 =	sge.u32 s31, s8  }
.Ltmp2:
0x29: {  	_ = 	snop;
	(pc) =	sbr.rel @p1 .LBB2_5-.Ltmp2, $1  }
0x2a: {  	_ =	sdelay $0x3  }
0x2b: {  	s14 =	simm.s32 $0x1  }
0x2c: {  	_ =	swait.ge [sflag:s7], $0x400;
	s14 =	simm.s32 @!p0 $0x0  }
0x2d: {  	[sflag:s7] =	ssyncset.done $0x0;
	s14 =	sshll.u32 s14, $0xA  }
0x2e: {  	[sflag:s7] =	ssyncadd.s32 $0xFFFFFC00;
	(ifvalue) =	ssetifvalue $0x7FFFFFFF;
	v0 =	vld.msk [tilespmem:s14+$0x0 ss:$0x1], $0xffff;
	_ =	sdelay $0x3  }
0x2f: {  	s15 =	sadd.s32 $0x10, s14  }
0x30: {  	v2 =	vld.msk [tilespmem:s15+$0x0 ss:$0x1], $0xffff;
	v1 =	vshrl.u32 v0, $0x6  }
0x31: {  	vm1 =	veq.s32 v0, $0x80000000;
	v0 =	vand.u32 $0x3F, v0;
	v1 =	vand.u32 $0x3FF, v1  }
0x32: {  	v0 =	vsel vm1, $0xFFFFFFFF, v0;
	v1 =	vsel vm1, $0xFFFFFFFF, v1  }
0x33: {  	v3 =	vshll.u32 v0, $0xA;
	v4 =	vshll.u32 v1, $0x3  }
0x34: {  	v0 =	vshll.u32 v0, $0x7;
	v3 =	vand.u32 $0xFFFFE000, v3;
	v4 =	vand.u32 $0xFFFFFC00, v4  }
0x35: {  	vm1 =	veq.s32 v2, $0x80000000;
	v0 =	vand.u32 $0x380, v0;
	v3 =	vadd.s32 v3, v4  }
0x36: {  	v1 =	vand.u32 $0x7F, v1;
	v0 =	vor.u32 v0, v3;
	v3 =	vshrl.u32 v2, $0x6  }
0x37: {  	s17 =	sadd.s32 $0x10, s15;
	v2 =	vand.u32 $0x3F, v2;
	v1 =	vor.u32 v1, v0;
	v3 =	vand.u32 $0x3FF, v3  }
0x38: {  	v0 =	vld.msk [tilespmem:s17+$0x0 ss:$0x1], $0xffff;
	v2 =	vsel vm1, $0xFFFFFFFF, v2;
	v3 =	vsel vm1, $0xFFFFFFFF, v3  }
0x39: {  	v63 =	vshll.u32 v2, $0xA;
	v5 =	vshll.u32 v3, $0x3  }
0x3a: {  	s31 =	sshll.u32 s12, $0xA;
	v2 =	vshll.u32 v2, $0x7;
	v4 =	vand.u32 $0xFFFFE000, v63;
	v5 =	vand.u32 $0xFFFFFC00, v5  }
0x3b: {  	s14 =	sor.u32 $0x800, s14;
	s15 =	sand.u32 $0x400, s31;
	(ifvalue) =	ssetifvalue $0x7FFFFFFF;
	v2 =	vand.u32 $0x380, v2;
	v4 =	vadd.s32 v4, v5  }
0x3c: {  	[tilespmem:s14], [sflag:$0x1] =	stream.indirect_vreg.gather [hbm4b:s2+s10], $0x1, v1, vm0, $0x4038;
	v1 =	vand.u32 $0x7F, v3;
	v3 =	vor.u32 v2, v4;
	[tilespmem:$0x1000] =	vst v63  }
0x3d: {  	s16 =	simm.s32 $0x20;
	s15 =	sor.u32 $0x800, s15;
	s17 =	sadd.s32 $0x10, s17;
	v2 =	vshrl.u32 v0, $0x6;
	v1 =	vor.u32 v1, v3  }
.LBB2_3:
0x3e: {  	s16 =	sadd.s32 $0x10, s16;
	vm1 =	veq.s32 v0, $0x80000000;
	v3 =	vand.u32 $0x3F, v0;
	v0 =	vld.msk [tilespmem:s17+$0x0 ss:$0x1], $0xffff;
	v2 =	vand.u32 $0x3FF, v2  }
0x3f: {  	p1 =	slt.u32 s16, $0x3F0;
	v3 =	vsel vm1, $0xFFFFFFFF, v3;
	v2 =	vsel vm1, $0xFFFFFFFF, v2  }
.Ltmp3:
0x40: {  	v4 =	vshll.u32 v3, $0xA;
	v5 =	vshll.u32 v2, $0x3;
	(pc) =	sbr.rel @p1 .LBB2_3-.Ltmp3, $4  }
0x41: {  	s14 =	sadd.s32 $0x10, s14;
	v3 =	vshll.u32 v3, $0x7;
	v4 =	vand.u32 $0xFFFFE000, v4;
	v5 =	vand.u32 $0xFFFFFC00, v5;
	(ifvalue) =	ssetifvalue $0x7FFFFFFF  }
0x42: {  	v3 =	vand.u32 $0x380, v3;
	v4 =	vadd.s32 v4, v5;
	[tilespmem:s14], [sflag:$0x1] =	stream.indirect_vreg.gather [hbm4b:s2+s10], $0x1, v1, vm0, $0x4038;
	[tilespmem:$0x1000] =	vst v63  }
0x43: {  	v1 =	vand.u32 $0x7F, v2;
	v3 =	vor.u32 v3, v4  }
0x44: {  	s17 =	sadd.s32 $0x10, s17;
	v2 =	vshrl.u32 v0, $0x6;
	v1 =	vor.u32 v1, v3  }
.Ltmp4:
0x45: {  	_ = 	snop;
	(pc) =	sbr.rel .LBB2_4-.Ltmp4, $1  }
0x46: {  	_ =	sdelay $0x3  }
.LBB2_6:
0x47: {  	_ =	sfence.sel $0x180000  }
0x48: {  	s2 =	simm.s32 $0x2;
	[bflag:$0x0] =	sbarrier.arrive $0xFFFF  }
0x49: {  	s30 =	simm.s32 $0x3;
	[sflag:s2] =	ssyncpa.u1 $0x1  }
0x4a: {  	s31 =	simm.s32 $0x1;
	[sflag:s30] =	ssyncpa.u1 $0x1  }
0x4b: {  	[sflag:s31] =	ssyncpa.u1 $0x1  }
0x4c: {  	p0 =	sne.s32 s0, $0x0;
	_ =	strace $0x90000047  }
0x4d: {  	s0 =	sadd.s32 @!p0 $0x100000, s1;
	[bflag:$0x2] =	sbarrier.arrive $0xFFFF  }
0x4e: {  	[sflag:s0] =	ssyncadd.tile.s32 @!p0 $0x1;
	_ =	shalt  }
.Lfunc_end2:
_tile_overlayer_lowered:
.L_overlay_start_2:
0x4f: {  	(tag) =	ssettag $0x2  }
0x50: {  	s0 =	rddreg [dreg:$0x0];
	s2 =	stileid.u32  }
0x51: {  	s1 =	rddreg [dreg:$0x1];
	p0 =	sne.s32 s2, $0x0  }
0x52: {  	s3 =	rddreg [dreg:$0x2];
	[bflag:$0x3] =	sbarrier.arrive $0xFFFF;
	s2 =	simm.s32 @!p0 $0x1C01  }
0x53: {  	[timem:s3], [sflag:s2] =	dma.local @!p0 [hbm:s0], s1  }
0x54: {  	s0 =	simm.s32 @!p0 $0x1  }
0x55: {  	_ =	swait.ge @!p0 [sflag:s0], s1  }
0x56: {  	s1 =	ssub.s32 @!p0 $0x0, s1;
	[sflag:s0] =	ssyncset.done @!p0 $0x0  }
0x57: {  	[sflag:s0] =	ssyncadd.s32 @!p0 s1  }
0x58: {  	[bflag:$0x3] =	sbarrier.arrive $0xFFFF  }
0x59: {  	_ =	shalt  }

// kernel: kernel.3.cloned.1.call-start
scs
__scs_entry_jumppad:
0x0: {  	(pc) =	sbr.rel $0x88, $3  }
0x1: {  	(tag) =	ssettag $0x0;
	lr =	simm.s32 $0x1  }
0x2: {  	[smem:$0x3FA0] =	sst lr;
	_ =	strace $0xD0000000  }
0x3: {  	_ = 	snop  }
0x4: {  	_ = 	snop  }
0x5: {  	_ = 	snop  }
0x6: {  	_ = 	snop  }
0x7: {  	_ = 	snop  }
__scs_overlays_trampoline_lowered:
0x8: {  	[smem:$0x3FAF] =	sst s0  }
0x9: {  	[smem:$0x3FB0] =	sst s1  }
0xa: {  	[smem:$0x3FB1] =	sst s2  }
0xb: {  	[smem:$0x3FB2] =	sst s3  }
0xc: {  	[smem:$0x3FB3] =	sst s4  }
0xd: {  	[smem:$0x3FB4] =	sst s5  }
0xe: {  	[smem:$0x3FB5] =	sst s6  }
0xf: {  	[smem:$0x3FB6] =	sst s7  }
0x10: {  	[smem:$0x3FB7] =	sst s8  }
0x11: {  	[smem:$0x3FB8] =	sst s9;
	s0 =	simm.s32 @!p0 $0x0  }
0x12: {  	s1 =	sld [smem:$0x3F9E];
	s0 =	simm.s32 @p0 $0x1  }
0x13: {  	[smem:$0x3FB9] =	sst s0;
	s0 =	simm.s32 @!p1 $0x0  }
0x14: {  	s2 =	sld [smem:$0x3F9D];
	s0 =	simm.s32 @p1 $0x1  }
0x15: {  	[smem:$0x3FBA] =	sst s0;
	s0 =	simm.s32 @!p2 $0x0  }
0x16: {  	s3 =	sld [smem:$0x3FDB];
	s0 =	simm.s32 @p2 $0x1  }
0x17: {  	s4 =	simm.s32 $0x1BF5;
	[smem:$0x3FBC] =	sst s0  }
0x18: {  	s0 =	sld [smem:$0x3F9F];
	_ =	swait.ge [sflag:s4], $0x0  }
0x19: {  	s7 =	sld [smem:$0x3FA0]  }
0x1a: {  	s8 =	sadd.s32 $0xFFFFE003, lr  }
0x1b: {  	s9 =	sadd.s32 $0xFFFFFEF7, lr;
	s5 =	simm.s32 $0xFFFFFFFF;
	p2 =	slt.u32 s8, $0xFFFFF086  }
0x1c: {  	p1 =	slt.u32 s9, $0xF7A;
	s5 =	simm.s32 @!p2 $0x0  }
0x1d: {  	s5 =	simm.s32 @p1 $0x1;
	p0 =	seq.s32 s7, s2  }
0x1e: {  	s7 =	smul.u32 @!p0 $0xF7A, s2;
	p2 =	seq.s32 @!p0 s5, $0x0  }
0x1f: {  	s9 =	smul.u32 $0xF7A, s1;
	s8 =	simm.s32 @!p0 $0x1BF5;
	p2 =	por !p2, p0  }
0x20: {  	[sflag:s8] =	ssyncset.s32 @!p0 $0xFFFFF086;
	s6 =	sadd.s32 @!p0 s3, s7;
	s7 =	simm.s32 @!p0 $0x108  }
0x21: {  	s3 =	sadd.s32 s3, s9;
	s6 =	sadd.s32 @!p0 $0x88, s6;
	s7 =	simm.s32 @p2 $0x1082  }
0x22: {  	[simem:s7], [sflag:s8] =	dma.local @!p0 [hbm:s6], $0xF7A  }
0x23: {  	s9 =	sor.u32 $0xD0000000, s2;
	s6 =	simm.s32 $0x108;
	_ =	swait.ge @!p0 [sflag:s8], $0x0  }
0x24: {  	s3 =	sadd.s32 $0x88, s3;
	s6 =	simm.s32 @!p1 $0x1082;
	[sflag:s4] =	ssyncset.s32 $0xFFFFF086  }
0x25: {  	[simem:s6], [sflag:s4] =	dma.local [hbm:s3], $0xF7A  }
0x26: {  	[smem:$0x3FA0] =	sst s1;
	(tag) =	ssettag s2;
	_ =	strace s9  }
0x27: {  	s1 =	sld [smem:$0x3FB0]  }
0x28: {  	s2 =	sld [smem:$0x3FB1]  }
0x29: {  	s4 =	sld [smem:$0x3FB3]  }
0x2a: {  	p0 =	seq.s32 s5, $0x0;
	s5 =	sld [smem:$0x3FB4]  }
0x2b: {  	s6 =	sld [smem:$0x3FB5]  }
0x2c: {  	s7 =	sld [smem:$0x3FB6]  }
0x2d: {  	s3 =	simm.s32 $0x108;
	s8 =	sld [smem:$0x3FB7]  }
0x2e: {  	s3 =	simm.s32 @!p0 $0x1082;
	s9 =	sld [smem:$0x3FB8]  }
0x2f: {  	lr =	sadd.s32 s0, s3;
	s0 =	sld [smem:$0x3FAF]  }
0x30: {  	s3 =	sld [smem:$0x3FB2]  }
0x31: {  	[smem:$0x3FBB] =	sst s10  }
0x32: {  	s10 =	sld [smem:$0x3FB9];
	_ =	sdelay $0x3  }
0x33: {  	p0 =	seq.s32 s10, $0x1;
	s10 =	sld [smem:$0x3FBB];
	_ =	sdelay $0x3  }
0x34: {  	[smem:$0x3FBB] =	sst s10  }
0x35: {  	s10 =	sld [smem:$0x3FBA];
	_ =	sdelay $0x3  }
0x36: {  	p1 =	seq.s32 s10, $0x1;
	s10 =	sld [smem:$0x3FBB];
	_ =	sdelay $0x3  }
0x37: {  	[smem:$0x3FBB] =	sst s10  }
0x38: {  	s10 =	sld [smem:$0x3FBC]  }
0x39: {  	_ = 	snop;
	(pc) =	sbr.ind lr, $3  }
0x3a: {  	_ = 	snop  }
0x3b: {  	_ = 	snop  }
0x3c: {  	p2 =	seq.s32 s10, $0x1;
	s10 =	sld [smem:$0x3FBB]  }
0x3d: {  	_ =	shalt  }
0x3e: {  	_ =	shalt  }
0x3f: {  	_ =	shalt  }
0x40: {  	_ =	shalt  }
0x41: {  	_ =	shalt  }
0x42: {  	_ =	shalt  }
0x43: {  	_ =	shalt  }
0x44: {  	_ =	shalt  }
0x45: {  	_ =	shalt  }
0x46: {  	_ =	shalt  }
0x47: {  	_ =	shalt  }
0x48: {  	_ =	shalt  }
0x49: {  	_ =	shalt  }
0x4a: {  	_ =	shalt  }
0x4b: {  	_ =	shalt  }
0x4c: {  	_ =	shalt  }
0x4d: {  	_ =	shalt  }
0x4e: {  	_ =	shalt  }
0x4f: {  	_ =	shalt  }
0x50: {  	_ =	shalt  }
0x51: {  	_ =	shalt  }
0x52: {  	_ =	shalt  }
0x53: {  	_ =	shalt  }
0x54: {  	_ =	shalt  }
0x55: {  	_ =	shalt  }
0x56: {  	_ =	shalt  }
0x57: {  	_ =	shalt  }
0x58: {  	_ =	shalt  }
0x59: {  	_ =	shalt  }
0x5a: {  	_ =	shalt  }
0x5b: {  	_ =	shalt  }
0x5c: {  	_ =	shalt  }
0x5d: {  	_ =	shalt  }
0x5e: {  	_ =	shalt  }
0x5f: {  	_ =	shalt  }
0x60: {  	_ =	shalt  }
0x61: {  	_ =	shalt  }
0x62: {  	_ =	shalt  }
0x63: {  	_ =	shalt  }
0x64: {  	_ =	shalt  }
0x65: {  	_ =	shalt  }
0x66: {  	_ =	shalt  }
0x67: {  	_ =	shalt  }
0x68: {  	_ =	shalt  }
0x69: {  	_ =	shalt  }
0x6a: {  	_ =	shalt  }
0x6b: {  	_ =	shalt  }
0x6c: {  	_ =	shalt  }
0x6d: {  	_ =	shalt  }
0x6e: {  	_ =	shalt  }
0x6f: {  	_ =	shalt  }
0x70: {  	_ =	shalt  }
0x71: {  	_ =	shalt  }
0x72: {  	_ =	shalt  }
0x73: {  	_ =	shalt  }
0x74: {  	_ =	shalt  }
0x75: {  	_ =	shalt  }
0x76: {  	_ =	shalt  }
0x77: {  	_ =	shalt  }
0x78: {  	_ =	shalt  }
0x79: {  	_ =	shalt  }
0x7a: {  	_ =	shalt  }
0x7b: {  	_ =	shalt  }
0x7c: {  	_ =	shalt  }
0x7d: {  	_ =	shalt  }
0x7e: {  	_ =	shalt  }
0x7f: {  	_ =	shalt  }
0x80: {  	_ =	shalt  }
0x81: {  	_ =	shalt  }
0x82: {  	_ =	shalt  }
0x83: {  	_ =	shalt  }
0x84: {  	_ =	shalt  }
0x85: {  	_ =	shalt  }
0x86: {  	_ =	shalt  }
0x87: {  	_ =	shalt  }
.Lfunc_end0:
.L_simem_size_0:
called_computation.1_lowered:
.L_overlay_start_0:
0x88: {  	s2 =	sld [smem:$0x3FD9]  }
0x89: {  	s3 =	sld [smem:$0x3FFE];
	_ =	sdelay $0x1  }
0x8a: {  	s1 =	srdreg.scid  }
0x8b: {  	s0 =	sand.u32 $0x1, s1  }
0x8c: {  	s15 =	sshll.u32 s0, $0xA;
	s2 =	sadd.s32 s3, s2  }
0x8d: {  	s2 =	sadd.s32 s2, s15  }
0x8e: {  	[smem:$0x3FC7] =	sst s2  }
0x8f: {  	_ = 	snop  }
0x90: {  	s16 =	sld [smem:$0x3FD0];
	_ =	sdelay $0x2  }
0x91: {  	s4 =	simm.s32 $0xB;
	s5 =	simm.s32 $0x10;
	s2 =	sld [smem:$0x3FC9]  }
0x92: {  	[smem:s5], [sflag:s4] =	dma.local [hbm:s16], $0x1  }
0x93: {  	_ =	swait.eq [sflag:s4], $0x1  }
0x94: {  	[sflag:s4] =	ssyncset.done $0x0  }
0x95: {  	[sflag:s4] =	ssyncadd.s32 $0xFFFFFFFF  }
0x96: {  	s17 =	sld [smem:$0x10];
	(tm) =	ssettm $0x1  }
0x97: {  	s18 =	sld [smem:$0x3FFB];
	_ =	sdelay $0x3  }
0x98: {  	_ =	strace s18  }
0x99: {  	s3 =	sld [smem:$0x3FFC];
	_ =	sdelay $0x3  }
0x9a: {  	_ =	strace s3  }
0x9b: {  	s3 =	sld [smem:$0x3FFD];
	_ =	sdelay $0x3  }
0x9c: {  	_ =	strace s3  }
0x9d: {  	_ =	strace $0x8FFFFFFF  }
0x9e: {  	s19 =	sld [smem:$0x3FDB];
	_ =	sdelay $0x1  }
0x9f: {  	s20 =	simm.s32 $_scs_section_size  }
0xa0: {  	s6 =	simm.s32 $_size__tile_overlayer_lowered;
	s7 =	simm.s32 $_tile_overlayer_lowered  }
0xa1: {  	s8 =	simm.s32 $0x1BFF;
	s21 =	sshll.u32 s7, $0x1;
	s5 =	sadd.s32 s20, s19  }
0xa2: {  	s22 =	simm.s32 $0x0;
	s6 =	sshll.u32 s6, $0x1;
	s7 =	sadd.s32 s21, s5  }
0xa3: {  	[timem:s22], [sflag:s8] =	dma.local [hbm:s7], s6  }
0xa4: {  	_ =	swait.ge [sflag:s8], s6  }
0xa5: {  	s6 =	ssub.s32 $0x0, s6;
	[sflag:s8] =	ssyncset.done $0x0  }
0xa6: {  	[sflag:s8] =	ssyncadd.s32 s6;
	_ =	sdelay $0x1  }
0xa7: {  	s23 =	simm.s32 $0x1B8B  }
0xa8: {  	_ =	swait.ge [sflag:s23], $0x1  }
0xa9: {  	[sflag:s23] =	ssyncset.done $0x0  }
0xaa: {  	[sflag:s23] =	ssyncadd.s32 $0xFFFFFFFF  }
0xab: {  	s6 =	sld [smem:$0x0]  }
0xac: {  	s7 =	sand.u32 $0xFFFFFFFE, s1  }
0xad: {  	p0 =	sne.s32 s1, s7  }
0xae: {  	s7 =	sshll.u32 @p0 s7, $0xE  }
0xaf: {  	s7 =	sadd.s32 @p0 $0x11B8D, s7;
	s8 =	sshll.u32 @p0 s6, $0x11  }
0xb0: {  	s7 =	sor.u32 @p0 s8, s7  }
0xb1: {  	[sflag:s7] =	ssyncadd.remote.s32 @p0 $0x1;
	_ =	sdelay $0x1  }
0xb2: {  	s7 =	simm.s32 @p0 $0x1B8D  }
0xb3: {  	_ =	swait.eq @p0 [sflag:s7], $0x1  }
0xb4: {  	[sflag:s7] =	ssyncadd.s32 @p0 $0xFFFFFFFF  }
0xb5: {  	s8 =	sshll.u32 @!p0 s1, $0xE  }
0xb6: {  	s8 =	sor.u32 @!p0 $0x4000, s8;
	s7 =	simm.s32 @!p0 $0x1B8D  }
0xb7: {  	s6 =	sshll.u32 @!p0 s6, $0x11;
	s8 =	sadd.s32 @!p0 $0x11B8D, s8;
	_ =	swait.eq @!p0 [sflag:s7], $0x1  }
0xb8: {  	s6 =	sor.u32 @!p0 s6, s8;
	[sflag:s7] =	ssyncadd.s32 @!p0 $0xFFFFFFFF  }
0xb9: {  	s25 =	simm.s32 $0x1B8E;
	s24 =	sld [smem:$0x3FFE];
	[sflag:s6] =	ssyncadd.remote.s32 @!p0 $0x1  }
0xba: {  	s26 =	simm.s32 $execute0_lowered;
	[smem:$0x3FD2] =	sst s25  }
0xbb: {  	s7 =	sshll.u32 s26, $0x1;
	_ =	strace $0x80000049;
	[dreg:$0x1] =	wrdreg $0xFFFFFFFF  }
0xbc: {  	s28 =	simm.s32 $_size_execute0_lowered;
	s5 =	sadd.s32 s5, s7;
	[dreg:$0x0] =	wrdreg $0x0  }
0xbd: {  	s7 =	sshll.u32 s28, $0x1;
	[dreg:$0x2] =	wrdreg s5  }
0xbe: {  	[dreg:$0x3] =	wrdreg s7  }
0xbf: {  	[dreg:$0x4] =	wrdreg $0xC0  }
0xc0: {  	_ =	task [dreg:s22], $0x5FFFF  }
0xc1: {  	[dreg:$0x1] =	wrdreg $0xFFFFFFFF  }
0xc2: {  	[dreg:$0x0] =	wrdreg $0x60  }
0xc3: {  	[dreg:$0x2] =	wrdreg s2  }
0xc4: {  	[dreg:$0x3] =	wrdreg s24  }
0xc5: {  	[dreg:$0x4] =	wrdreg s17  }
0xc6: {  	[dreg:$0x5] =	wrdreg $0xA  }
0xc7: {  	_ =	task.clear_ibuf [dreg:s22], $0x6FFFF;
	_ =	strace $0x90000049  }
0xc8: {  	s29 =	simm.s32 $0xA;
	_ =	strace $0x8000004B  }
0xc9: {  	_ =	swait.ge [sflag:s29], $0x1  }
0xca: {  	[sflag:s29] =	ssyncadd.s32 $0xFFFFFFFF  }
0xcb: {  	_ =	strace $0x9000004B  }
0xcc: {  	_ =	sfence  }
0xcd: {  	s30 =	sld [smem:$0x0];
	_ =	sdelay $0x2  }
0xce: {  	s31 =	sshll.u32 s1, $0xD;
	s1 =	sshrl.u32 s1, $0x2  }
0xcf: {  	s4 =	sand.u32 $0x4000, s31;
	s1 =	sadd.s32 s1, s30  }
0xd0: {  	s0 =	sor.u32 s4, s0;
	s1 =	sshll.u32 s1, $0x11  }
0xd1: {  	s0 =	sor.u32 s1, s0  }
0xd2: {  	s0 =	sadd.s32 $0x8F2B, s0  }
0xd3: {  	[sflag:s0] =	ssyncadd.remote.s32 $0x1  }
0xd4: {  	_ =	sfence.sel $0xFFFF  }
0xd5: {  	[dreg:$0x0] =	wrdreg $0xFFFFFFFF;
	(pc) =	sbr.abs _section_cstart, $3  }
0xd6: {  	[dreg:$0x1] =	wrdreg $0xFFFFFFFF  }
0xd7: {  	_ =	task.clear_ibuf [dreg:s22], $0x2FFFF;
	_ =	strace $0x9FFFFFFF  }
0xd8: {  	(tm) =	ssettm $0x7FFFFFFF  }
0xd9: {  	_ =	shalt  }
tec
execute0_lowered:
.L_overlay_start_1:
0x0: {  	(tag) =	ssettag $0x1  }
0x1: {  	s1 =	rddreg [dreg:$0x0]  }
0x2: {  	s0 =	srdreg.scid;
	s3 =	stileid.u32  }
0x3: {  	s2 =	rddreg [dreg:$0x1];
	s0 =	sand.u32 $0x1, s0;
	s3 =	sshll.u32 s3, $0x1  }
0x4: {  	s4 =	rddreg [dreg:$0x2];
	s12 =	simm.s32 $0x3;
	s5 =	sor.u32 s0, s3  }
0x5: {  	s3 =	simm.s32 $0x0;
	s6 =	smul.u32 $0xC000, s5;
	s7 =	sshll.u32 s5, $0x8  }
0x6: {  	s13 =	simm.s32 $0x5;
	[smem:$0x7FF] =	sst s3;
	s2 =	sadd.s32 s2, s7  }
0x7: {  	_ =	strace $0x8000004A;
	s6 =	sadd.s32 s4, s6;
	[dreg:$0x4] =	wrdreg s2  }
0x8: {  	s14 =	simm.s32 $0x4;
	s15 =	sadd.s32 $0xC00, s6;
	[dreg:$0x14] =	wrdreg s6  }
0x9: {  	s5 =	smul.u32 $0x60000, s5;
	s16 =	sadd.s32 $0x1800, s6;
	[dreg:$0x5] =	wrdreg s15  }
0xa: {  	s11 =	simm.s32 $0x12800;
	s17 =	sadd.s32 $0x2400, s6;
	[dreg:$0x6] =	wrdreg s16  }
0xb: {  	s5 =	sshrl.u32 s5, $0x3;
	s18 =	sadd.s32 $0x3000, s6;
	[dreg:$0x7] =	wrdreg s17  }
0xc: {  	s19 =	sadd.s32 $0x3C00, s6;
	s4 =	sadd.s32 s4, s5;
	[dreg:$0x8] =	wrdreg s18  }
0xd: {  	s0 =	ssub.s32 $0x2, s0;
	[dreg:$0x9] =	wrdreg s19;
	s20 =	sadd.s32 $0x4800, s4  }
0xe: {  	s28 =	sshrl.u32 s0, $0x1;
	s21 =	sadd.s32 $0x5400, s4;
	[dreg:$0xa] =	wrdreg s20  }
0xf: {  	s0 =	ssub.s32 s0, s28;
	s22 =	sadd.s32 $0x6000, s4;
	[dreg:$0xb] =	wrdreg s21  }
0x10: {  	s7 =	smax.u32 s0, $0x1;
	s23 =	sadd.s32 $0x6C00, s4;
	[dreg:$0xc] =	wrdreg s22  }
0x11: {  	s5 =	sadd.s32 $0x100, s1;
	s24 =	sadd.s32 $0x7800, s4;
	[dreg:$0xd] =	wrdreg s23  }
0x12: {  	s6 =	sadd.s32 $0x200, s1;
	s25 =	sadd.s32 $0x8400, s4;
	[dreg:$0xe] =	wrdreg s24  }
0x13: {  	s26 =	sadd.s32 $0x9000, s4;
	s29 =	sadd.s32 $0x9C00, s4;
	[dreg:$0xf] =	wrdreg s25  }
0x14: {  	s30 =	sadd.s32 $0xA800, s4;
	s31 =	sadd.s32 $0xB400, s4;
	[dreg:$0x10] =	wrdreg s26  }
0x15: {  	v2 =	vlaneseq.u32;
	s4 =	simm.s32 $0x1;
	s15 =	simm.s32 $0x6;
	[dreg:$0x11] =	wrdreg s29  }
0x16: {  	vm0 =	vmmov $0xffff;
	v1 =	vshrl.u32 v2, $0x3;
	s16 =	simm.s32 $0x7;
	s17 =	simm.s32 $0x8;
	[dreg:$0x12] =	wrdreg s30  }
0x17: {  	v0 =	vand.u32 $0x7, v2;
	v2 =	vor.u32 $0x8, v2;
	v1 =	vmul.u32 $0x8, v1;
	[dreg:$0x13] =	wrdreg s31;
	s22 =	simm.s32 $0x2;
	s21 =	simm.s32 $0x800  }
.LBB2_1:
0x18: {  	s18 =	rddreg [dreg:$0x4];
	s25 =	simm.s32 $0x9  }
0x19: {  	[tilespmem:s3], [sflag:$0x9] =	stream.linear.gather [hbm4b:s18+s3], $0x800, $0x38;
	[tilespmem:$0x18800] =	vst v63  }
0x1a: {  	_ =	swait.ge [sflag:s25], $0x800  }
0x1b: {  	[sflag:s25] =	ssyncset.done $0x0  }
0x1c: {  	[sflag:s25] =	ssyncadd.s32 $0xFFFFF800  }
0x1d: {  	v3 =	vld [tilespmem:$0x0];
	_ =	sdelay $0x4  }
0x1e: {  	v4 =	vshrl.u32 v3, $0x3  }
0x1f: {  	v4 =	vmul.u32 $0x30, v4  }
0x20: {  	v3 =	vand.u32 $0x7, v3  }
0x21: {  	v3 =	vor.u32 v3, v4  }
0x22: {  	v4 =	vperm.xlane v3, v0;
	_ =	sdelay $0x1  }
0x23: {  	v4 =	vadd.s32 v1, v4;
	_ =	sdelay $0x3  }
0x24: {  	v3 =	vperm.xlane v3, v2  }
0x25: {  	[tilespmem:s21], [sflag:$0x1] =	stream.indirect_vreg.gather [hbm4b:s1+s3], $0x80, v4, vm0, $0xb8;
	[tilespmem:$0x18800] =	vst v63  }
0x26: {  	s0 =	simm.s32 $0x1000;
	v3 =	vadd.s32 v1, v3  }
0x27: {  	[tilespmem:s0], [sflag:$0x1] =	stream.indirect_vreg.gather [hbm4b:s5+s3], $0x80, v4, vm0, $0xb8;
	[tilespmem:$0x18800] =	vst v63  }
0x28: {  	s26 =	simm.s32 $0x1800  }
0x29: {  	[tilespmem:s26], [sflag:$0x1] =	stream.indirect_vreg.gather [hbm4b:s6+s3], $0x80, v4, vm0, $0xb8;
	[tilespmem:$0x18800] =	vst v63  }
0x2a: {  	s28 =	simm.s32 $0x2000  }
0x2b: {  	[tilespmem:s28], [sflag:$0x1] =	stream.indirect_vreg.gather [hbm4b:s1+s3], $0x80, v3, vm0, $0xb8;
	[tilespmem:$0x18800] =	vst v63  }
0x2c: {  	s29 =	simm.s32 $0x2800  }
0x2d: {  	[tilespmem:s29], [sflag:$0x1] =	stream.indirect_vreg.gather [hbm4b:s5+s3], $0x80, v3, vm0, $0xb8;
	[tilespmem:$0x18800] =	vst v63  }
0x2e: {  	s30 =	simm.s32 $0x3000  }
0x2f: {  	[tilespmem:s30], [sflag:$0x1] =	stream.indirect_vreg.gather [hbm4b:s6+s3], $0x80, v3, vm0, $0xb8;
	[tilespmem:$0x18800] =	vst v63  }
0x30: {  	v3 =	vld [tilespmem:$0x10];
	_ =	sdelay $0x4  }
0x31: {  	v33 =	vshrl.u32 v3, $0x3  }
0x32: {  	v4 =	vmul.u32 $0x30, v33  }
0x33: {  	v3 =	vand.u32 $0x7, v3  }
0x34: {  	v3 =	vor.u32 v3, v4  }
0x35: {  	v4 =	vperm.xlane v3, v0;
	_ =	sdelay $0x1  }
0x36: {  	v4 =	vadd.s32 v1, v4;
	_ =	sdelay $0x3  }
0x37: {  	s2 =	simm.s32 $0x3800;
	v3 =	vperm.xlane v3, v2  }
0x38: {  	[tilespmem:s2], [sflag:$0x1] =	stream.indirect_vreg.gather [hbm4b:s1+s3], $0x80, v4, vm0, $0xb8;
	[tilespmem:$0x18800] =	vst v63  }
0x39: {  	s8 =	simm.s32 $0x4000;
	v3 =	vadd.s32 v1, v3  }
0x3a: {  	[tilespmem:s8], [sflag:$0x1] =	stream.indirect_vreg.gather [hbm4b:s5+s3], $0x80, v4, vm0, $0xb8;
	[tilespmem:$0x18800] =	vst v63  }
0x3b: {  	s9 =	simm.s32 $0x4800  }
0x3c: {  	[tilespmem:s9], [sflag:$0x1] =	stream.indirect_vreg.gather [hbm4b:s6+s3], $0x80, v4, vm0, $0xb8;
	[tilespmem:$0x18800] =	vst v63  }
0x3d: {  	s10 =	simm.s32 $0x5000  }
0x3e: {  	[tilespmem:s10], [sflag:$0x1] =	stream.indirect_vreg.gather [hbm4b:s1+s3], $0x80, v3, vm0, $0xb8;
	[tilespmem:$0x18800] =	vst v63  }
0x3f: {  	s18 =	simm.s32 $0x5800  }
0x40: {  	[tilespmem:s18], [sflag:$0x1] =	stream.indirect_vreg.gather [hbm4b:s5+s3], $0x80, v3, vm0, $0xb8;
	[tilespmem:$0x18800] =	vst v63  }
0x41: {  	s19 =	simm.s32 $0x6000  }
0x42: {  	[tilespmem:s19], [sflag:$0x1] =	stream.indirect_vreg.gather [hbm4b:s6+s3], $0x80, v3, vm0, $0xb8;
	[tilespmem:$0x18800] =	vst v63  }
0x43: {  	v3 =	vld [tilespmem:$0x80];
	_ =	sdelay $0x4  }
0x44: {  	v34 =	vshrl.u32 v3, $0x3  }
0x45: {  	v4 =	vmul.u32 $0x30, v34  }
0x46: {  	v3 =	vand.u32 $0x7, v3  }
0x47: {  	v3 =	vor.u32 v3, v4  }
0x48: {  	v4 =	vperm.xlane v3, v0;
	_ =	sdelay $0x1  }
0x49: {  	v4 =	vadd.s32 v1, v4;
	_ =	sdelay $0x3  }
0x4a: {  	s20 =	simm.s32 $0x6800;
	v3 =	vperm.xlane v3, v2  }
0x4b: {  	[tilespmem:s20], [sflag:$0x2] =	stream.indirect_vreg.gather [hbm4b:s1+s3], $0x80, v4, vm0, $0xb8;
	[tilespmem:$0x18800] =	vst v63  }
0x4c: {  	s24 =	simm.s32 $0x7000;
	v3 =	vadd.s32 v1, v3  }
0x4d: {  	[tilespmem:s24], [sflag:$0x2] =	stream.indirect_vreg.gather [hbm4b:s5+s3], $0x80, v4, vm0, $0xb8;
	[tilespmem:$0x18800] =	vst v63  }
0x4e: {  	s25 =	simm.s32 $0x7800  }
0x4f: {  	[tilespmem:s25], [sflag:$0x2] =	stream.indirect_vreg.gather [hbm4b:s6+s3], $0x80, v4, vm0, $0xb8;
	[tilespmem:$0x18800] =	vst v63  }
0x50: {  	s26 =	simm.s32 $0x8000  }
0x51: {  	[tilespmem:s26], [sflag:$0x2] =	stream.indirect_vreg.gather [hbm4b:s1+s3], $0x80, v3, vm0, $0xb8;
	[tilespmem:$0x18800] =	vst v63  }
0x52: {  	s28 =	simm.s32 $0x8800  }
0x53: {  	[tilespmem:s28], [sflag:$0x2] =	stream.indirect_vreg.gather [hbm4b:s5+s3], $0x80, v3, vm0, $0xb8;
	[tilespmem:$0x18800] =	vst v63  }
0x54: {  	s29 =	simm.s32 $0x9000  }
0x55: {  	[tilespmem:s29], [sflag:$0x2] =	stream.indirect_vreg.gather [hbm4b:s6+s3], $0x80, v3, vm0, $0xb8;
	[tilespmem:$0x18800] =	vst v63  }
0x56: {  	v3 =	vld [tilespmem:$0x90];
	_ =	sdelay $0x4  }
0x57: {  	v35 =	vshrl.u32 v3, $0x3  }
0x58: {  	v4 =	vmul.u32 $0x30, v35  }
0x59: {  	v3 =	vand.u32 $0x7, v3  }
0x5a: {  	v3 =	vor.u32 v3, v4  }
0x5b: {  	v4 =	vperm.xlane v3, v0;
	_ =	sdelay $0x1  }
0x5c: {  	v4 =	vadd.s32 v1, v4;
	_ =	sdelay $0x3  }
0x5d: {  	s30 =	simm.s32 $0x9800;
	v3 =	vperm.xlane v3, v2  }
0x5e: {  	[tilespmem:s30], [sflag:$0x2] =	stream.indirect_vreg.gather [hbm4b:s1+s3], $0x80, v4, vm0, $0xb8;
	[tilespmem:$0x18800] =	vst v63  }
0x5f: {  	s8 =	simm.s32 $0xA000;
	v3 =	vadd.s32 v1, v3  }
0x60: {  	[tilespmem:s8], [sflag:$0x2] =	stream.indirect_vreg.gather [hbm4b:s5+s3], $0x80, v4, vm0, $0xb8;
	[tilespmem:$0x18800] =	vst v63  }
0x61: {  	s18 =	simm.s32 $0xA800  }
0x62: {  	[tilespmem:s18], [sflag:$0x2] =	stream.indirect_vreg.gather [hbm4b:s6+s3], $0x80, v4, vm0, $0xb8;
	[tilespmem:$0x18800] =	vst v63  }
0x63: {  	s19 =	simm.s32 $0xB000  }
0x64: {  	[tilespmem:s19], [sflag:$0x2] =	stream.indirect_vreg.gather [hbm4b:s1+s3], $0x80, v3, vm0, $0xb8;
	[tilespmem:$0x18800] =	vst v63  }
0x65: {  	s25 =	simm.s32 $0xB800  }
0x66: {  	[tilespmem:s25], [sflag:$0x2] =	stream.indirect_vreg.gather [hbm4b:s5+s3], $0x80, v3, vm0, $0xb8;
	[tilespmem:$0x18800] =	vst v63  }
0x67: {  	s30 =	simm.s32 $0xC000  }
0x68: {  	[tilespmem:s30], [sflag:$0x2] =	stream.indirect_vreg.gather [hbm4b:s6+s3], $0x80, v3, vm0, $0xb8;
	[tilespmem:$0x18800] =	vst v63  }
0x69: {  	_ =	swait.ge [sflag:s4], $0x6000  }
0x6a: {  	[sflag:s4] =	ssyncset.done $0x0  }
0x6b: {  	s8 =	rddreg [dreg:$0x14];
	[sflag:s4] =	ssyncadd.s32 $0xFFFFA000  }
0x6c: {  	[hbm4b:s8+s3] =	stream.linear.scatter [tilespmem:s21], [sflag:$0x5], $0x6000, $0x38;
	[tilespmem:$0x18800] =	vst v63  }
0x6d: {  	v3 =	vld [tilespmem:$0x100];
	_ =	sdelay $0x4  }
0x6e: {  	v36 =	vshrl.u32 v3, $0x3  }
0x6f: {  	v4 =	vmul.u32 $0x30, v36  }
0x70: {  	v3 =	vand.u32 $0x7, v3  }
0x71: {  	v3 =	vor.u32 v3, v4  }
0x72: {  	v4 =	vperm.xlane v3, v0;
	_ =	sdelay $0x1  }
0x73: {  	v4 =	vadd.s32 v1, v4;
	_ =	sdelay $0x3  }
0x74: {  	s18 =	simm.s32 $0xC800;
	v3 =	vperm.xlane v3, v2  }
0x75: {  	[tilespmem:s18], [sflag:$0x3] =	stream.indirect_vreg.gather [hbm4b:s1+s3], $0x80, v4, vm0, $0xb8;
	[tilespmem:$0x18800] =	vst v63  }
0x76: {  	s19 =	simm.s32 $0xD000;
	v3 =	vadd.s32 v1, v3  }
0x77: {  	[tilespmem:s19], [sflag:$0x3] =	stream.indirect_vreg.gather [hbm4b:s5+s3], $0x80, v4, vm0, $0xb8;
	[tilespmem:$0x18800] =	vst v63  }
0x78: {  	s25 =	simm.s32 $0xD800  }
0x79: {  	[tilespmem:s25], [sflag:$0x3] =	stream.indirect_vreg.gather [hbm4b:s6+s3], $0x80, v4, vm0, $0xb8;
	[tilespmem:$0x18800] =	vst v63  }
0x7a: {  	s30 =	simm.s32 $0xE000  }
0x7b: {  	[tilespmem:s30], [sflag:$0x3] =	stream.indirect_vreg.gather [hbm4b:s1+s3], $0x80, v3, vm0, $0xb8;
	[tilespmem:$0x18800] =	vst v63  }
0x7c: {  	s18 =	simm.s32 $0xE800  }
0x7d: {  	[tilespmem:s18], [sflag:$0x3] =	stream.indirect_vreg.gather [hbm4b:s5+s3], $0x80, v3, vm0, $0xb8;
	[tilespmem:$0x18800] =	vst v63  }
0x7e: {  	s19 =	simm.s32 $0xF000  }
0x7f: {  	[tilespmem:s19], [sflag:$0x3] =	stream.indirect_vreg.gather [hbm4b:s6+s3], $0x80, v3, vm0, $0xb8;
	[tilespmem:$0x18800] =	vst v63  }
0x80: {  	v3 =	vld [tilespmem:$0x110];
	_ =	sdelay $0x4  }
0x81: {  	v37 =	vshrl.u32 v3, $0x3  }
0x82: {  	v4 =	vmul.u32 $0x30, v37  }
0x83: {  	v3 =	vand.u32 $0x7, v3  }
0x84: {  	v3 =	vor.u32 v3, v4  }
0x85: {  	v4 =	vperm.xlane v3, v0;
	_ =	sdelay $0x1  }
0x86: {  	v4 =	vadd.s32 v1, v4;
	_ =	sdelay $0x3  }
0x87: {  	s25 =	simm.s32 $0xF800;
	v3 =	vperm.xlane v3, v2  }
0x88: {  	[tilespmem:s25], [sflag:$0x3] =	stream.indirect_vreg.gather [hbm4b:s1+s3], $0x80, v4, vm0, $0xb8;
	[tilespmem:$0x18800] =	vst v63  }
0x89: {  	s30 =	simm.s32 $0x10000;
	v3 =	vadd.s32 v1, v3  }
0x8a: {  	[tilespmem:s30], [sflag:$0x3] =	stream.indirect_vreg.gather [hbm4b:s5+s3], $0x80, v4, vm0, $0xb8;
	[tilespmem:$0x18800] =	vst v63  }
0x8b: {  	s18 =	simm.s32 $0x10800  }
0x8c: {  	[tilespmem:s18], [sflag:$0x3] =	stream.indirect_vreg.gather [hbm4b:s6+s3], $0x80, v4, vm0, $0xb8;
	[tilespmem:$0x18800] =	vst v63  }
0x8d: {  	s19 =	simm.s32 $0x11000  }
0x8e: {  	[tilespmem:s19], [sflag:$0x3] =	stream.indirect_vreg.gather [hbm4b:s1+s3], $0x80, v3, vm0, $0xb8;
	[tilespmem:$0x18800] =	vst v63  }
0x8f: {  	s30 =	simm.s32 $0x11800  }
0x90: {  	[tilespmem:s30], [sflag:$0x3] =	stream.indirect_vreg.gather [hbm4b:s5+s3], $0x80, v3, vm0, $0xb8;
	[tilespmem:$0x18800] =	vst v63  }
0x91: {  	s18 =	simm.s32 $0x12000  }
0x92: {  	[tilespmem:s18], [sflag:$0x3] =	stream.indirect_vreg.gather [hbm4b:s6+s3], $0x80, v3, vm0, $0xb8;
	[tilespmem:$0x18800] =	vst v63  }
0x93: {  	_ =	swait.ge [sflag:s22], $0x6000  }
0x94: {  	[sflag:s22] =	ssyncset.done $0x0  }
0x95: {  	s10 =	simm.s32 $0x6800;
	s19 =	rddreg [dreg:$0x5];
	[sflag:s22] =	ssyncadd.s32 $0xFFFFA000  }
0x96: {  	[hbm4b:s19+s3] =	stream.linear.scatter [tilespmem:s10], [sflag:$0x6], $0x6000, $0x38;
	[tilespmem:$0x18800] =	vst v63  }
0x97: {  	v3 =	vld [tilespmem:$0x180];
	_ =	sdelay $0x4  }
0x98: {  	v38 =	vshrl.u32 v3, $0x3  }
0x99: {  	v4 =	vmul.u32 $0x30, v38  }
0x9a: {  	v3 =	vand.u32 $0x7, v3  }
0x9b: {  	v3 =	vor.u32 v3, v4  }
0x9c: {  	v4 =	vperm.xlane v3, v0;
	_ =	sdelay $0x1  }
0x9d: {  	v4 =	vadd.s32 v1, v4;
	_ =	sdelay $0x3  }
0x9e: {  	v3 =	vperm.xlane v3, v2  }
0x9f: {  	[tilespmem:s11], [sflag:$0x4] =	stream.indirect_vreg.gather [hbm4b:s1+s3], $0x80, v4, vm0, $0xb8;
	[tilespmem:$0x18800] =	vst v63  }
0xa0: {  	s30 =	simm.s32 $0x13000;
	v3 =	vadd.s32 v1, v3  }
0xa1: {  	[tilespmem:s30], [sflag:$0x4] =	stream.indirect_vreg.gather [hbm4b:s5+s3], $0x80, v4, vm0, $0xb8;
	[tilespmem:$0x18800] =	vst v63  }
0xa2: {  	s0 =	simm.s32 $0x13800  }
0xa3: {  	[tilespmem:s0], [sflag:$0x4] =	stream.indirect_vreg.gather [hbm4b:s6+s3], $0x80, v4, vm0, $0xb8;
	[tilespmem:$0x18800] =	vst v63  }
0xa4: {  	s10 =	simm.s32 $0x14000  }
0xa5: {  	[tilespmem:s10], [sflag:$0x4] =	stream.indirect_vreg.gather [hbm4b:s1+s3], $0x80, v3, vm0, $0xb8;
	[tilespmem:$0x18800] =	vst v63  }
0xa6: {  	s30 =	simm.s32 $0x14800  }
0xa7: {  	[tilespmem:s30], [sflag:$0x4] =	stream.indirect_vreg.gather [hbm4b:s5+s3], $0x80, v3, vm0, $0xb8;
	[tilespmem:$0x18800] =	vst v63  }
0xa8: {  	s0 =	simm.s32 $0x15000  }
0xa9: {  	[tilespmem:s0], [sflag:$0x4] =	stream.indirect_vreg.gather [hbm4b:s6+s3], $0x80, v3, vm0, $0xb8;
	[tilespmem:$0x18800] =	vst v63  }
0xaa: {  	v3 =	vld [tilespmem:$0x190];
	_ =	sdelay $0x4  }
0xab: {  	v39 =	vshrl.u32 v3, $0x3  }
0xac: {  	v4 =	vmul.u32 $0x30, v39  }
0xad: {  	v3 =	vand.u32 $0x7, v3  }
0xae: {  	v3 =	vor.u32 v3, v4  }
0xaf: {  	v4 =	vperm.xlane v3, v0;
	_ =	sdelay $0x1  }
0xb0: {  	v4 =	vadd.s32 v1, v4;
	_ =	sdelay $0x3  }
0xb1: {  	s10 =	simm.s32 $0x15800;
	v3 =	vperm.xlane v3, v2  }
0xb2: {  	[tilespmem:s10], [sflag:$0x4] =	stream.indirect_vreg.gather [hbm4b:s1+s3], $0x80, v4, vm0, $0xb8;
	[tilespmem:$0x18800] =	vst v63  }
0xb3: {  	s30 =	simm.s32 $0x16000;
	v3 =	vadd.s32 v1, v3  }
0xb4: {  	[tilespmem:s30], [sflag:$0x4] =	stream.indirect_vreg.gather [hbm4b:s5+s3], $0x80, v4, vm0, $0xb8;
	[tilespmem:$0x18800] =	vst v63  }
0xb5: {  	s0 =	simm.s32 $0x16800  }
0xb6: {  	[tilespmem:s0], [sflag:$0x4] =	stream.indirect_vreg.gather [hbm4b:s6+s3], $0x80, v4, vm0, $0xb8;
	[tilespmem:$0x18800] =	vst v63  }
0xb7: {  	s10 =	simm.s32 $0x17000  }
0xb8: {  	[tilespmem:s10], [sflag:$0x4] =	stream.indirect_vreg.gather [hbm4b:s1+s3], $0x80, v3, vm0, $0xb8;
	[tilespmem:$0x18800] =	vst v63  }
0xb9: {  	s30 =	simm.s32 $0x17800  }
0xba: {  	[tilespmem:s30], [sflag:$0x4] =	stream.indirect_vreg.gather [hbm4b:s5+s3], $0x80, v3, vm0, $0xb8;
	[tilespmem:$0x18800] =	vst v63  }
0xbb: {  	s0 =	simm.s32 $0x18000  }
0xbc: {  	[tilespmem:s0], [sflag:$0x4] =	stream.indirect_vreg.gather [hbm4b:s6+s3], $0x80, v3, vm0, $0xb8;
	[tilespmem:$0x18800] =	vst v63  }
0xbd: {  	_ =	swait.ge [sflag:s12], $0x6000  }
0xbe: {  	[sflag:s12] =	ssyncset.done $0x0  }
0xbf: {  	s8 =	simm.s32 $0xC800;
	s10 =	rddreg [dreg:$0x6];
	[sflag:s12] =	ssyncadd.s32 $0xFFFFA000  }
0xc0: {  	[hbm4b:s10+s3] =	stream.linear.scatter [tilespmem:s8], [sflag:$0x7], $0x6000, $0x38;
	[tilespmem:$0x18800] =	vst v63  }
0xc1: {  	_ =	swait.ge [sflag:s13], $0x6000  }
0xc2: {  	[sflag:s13] =	ssyncset.done $0x0  }
0xc3: {  	[sflag:s13] =	ssyncadd.s32 $0xFFFFA000  }
0xc4: {  	v3 =	vld [tilespmem:$0x200];
	_ =	sdelay $0x4  }
0xc5: {  	v40 =	vshrl.u32 v3, $0x3  }
0xc6: {  	v4 =	vmul.u32 $0x30, v40  }
0xc7: {  	v3 =	vand.u32 $0x7, v3  }
0xc8: {  	v3 =	vor.u32 v3, v4  }
0xc9: {  	v4 =	vperm.xlane v3, v0;
	_ =	sdelay $0x1  }
0xca: {  	v4 =	vadd.s32 v1, v4;
	_ =	sdelay $0x3  }
0xcb: {  	v3 =	vperm.xlane v3, v2  }
0xcc: {  	[tilespmem:s21], [sflag:$0x1] =	stream.indirect_vreg.gather [hbm4b:s1+s3], $0x80, v4, vm0, $0xb8;
	[tilespmem:$0x18800] =	vst v63  }
0xcd: {  	s23 =	simm.s32 $0x1000;
	v3 =	vadd.s32 v1, v3  }
0xce: {  	[tilespmem:s23], [sflag:$0x1] =	stream.indirect_vreg.gather [hbm4b:s5+s3], $0x80, v4, vm0, $0xb8;
	[tilespmem:$0x18800] =	vst v63  }
0xcf: {  	s31 =	simm.s32 $0x1800  }
0xd0: {  	[tilespmem:s31], [sflag:$0x1] =	stream.indirect_vreg.gather [hbm4b:s6+s3], $0x80, v4, vm0, $0xb8;
	[tilespmem:$0x18800] =	vst v63  }
0xd1: {  	s30 =	simm.s32 $0x2000  }
0xd2: {  	[tilespmem:s30], [sflag:$0x1] =	stream.indirect_vreg.gather [hbm4b:s1+s3], $0x80, v3, vm0, $0xb8;
	[tilespmem:$0x18800] =	vst v63  }
0xd3: {  	s18 =	simm.s32 $0x2800  }
0xd4: {  	[tilespmem:s18], [sflag:$0x1] =	stream.indirect_vreg.gather [hbm4b:s5+s3], $0x80, v3, vm0, $0xb8;
	[tilespmem:$0x18800] =	vst v63  }
0xd5: {  	s23 =	simm.s32 $0x3000  }
0xd6: {  	[tilespmem:s23], [sflag:$0x1] =	stream.indirect_vreg.gather [hbm4b:s6+s3], $0x80, v3, vm0, $0xb8;
	[tilespmem:$0x18800] =	vst v63  }
0xd7: {  	v3 =	vld [tilespmem:$0x210];
	_ =	sdelay $0x4  }
0xd8: {  	v41 =	vshrl.u32 v3, $0x3  }
0xd9: {  	v4 =	vmul.u32 $0x30, v41  }
0xda: {  	v3 =	vand.u32 $0x7, v3  }
0xdb: {  	v3 =	vor.u32 v3, v4  }
0xdc: {  	v4 =	vperm.xlane v3, v0;
	_ =	sdelay $0x1  }
0xdd: {  	v4 =	vadd.s32 v1, v4;
	_ =	sdelay $0x3  }
0xde: {  	s31 =	simm.s32 $0x3800;
	v3 =	vperm.xlane v3, v2  }
0xdf: {  	[tilespmem:s31], [sflag:$0x1] =	stream.indirect_vreg.gather [hbm4b:s1+s3], $0x80, v4, vm0, $0xb8;
	[tilespmem:$0x18800] =	vst v63  }
0xe0: {  	s23 =	simm.s32 $0x4000;
	v3 =	vadd.s32 v1, v3  }
0xe1: {  	[tilespmem:s23], [sflag:$0x1] =	stream.indirect_vreg.gather [hbm4b:s5+s3], $0x80, v4, vm0, $0xb8;
	[tilespmem:$0x18800] =	vst v63  }
0xe2: {  	s0 =	simm.s32 $0x4800  }
0xe3: {  	[tilespmem:s0], [sflag:$0x1] =	stream.indirect_vreg.gather [hbm4b:s6+s3], $0x80, v4, vm0, $0xb8;
	[tilespmem:$0x18800] =	vst v63  }
0xe4: {  	s10 =	simm.s32 $0x5000  }
0xe5: {  	[tilespmem:s10], [sflag:$0x1] =	stream.indirect_vreg.gather [hbm4b:s1+s3], $0x80, v3, vm0, $0xb8;
	[tilespmem:$0x18800] =	vst v63  }
0xe6: {  	s31 =	simm.s32 $0x5800  }
0xe7: {  	[tilespmem:s31], [sflag:$0x1] =	stream.indirect_vreg.gather [hbm4b:s5+s3], $0x80, v3, vm0, $0xb8;
	[tilespmem:$0x18800] =	vst v63  }
0xe8: {  	s0 =	simm.s32 $0x6000  }
0xe9: {  	[tilespmem:s0], [sflag:$0x1] =	stream.indirect_vreg.gather [hbm4b:s6+s3], $0x80, v3, vm0, $0xb8;
	[tilespmem:$0x18800] =	vst v63  }
0xea: {  	_ =	swait.ge [sflag:s14], $0x6000  }
0xeb: {  	[sflag:s14] =	ssyncset.done $0x0  }
0xec: {  	s10 =	rddreg [dreg:$0x7];
	[sflag:s14] =	ssyncadd.s32 $0xFFFFA000  }
0xed: {  	[hbm4b:s10+s3] =	stream.linear.scatter [tilespmem:s11], [sflag:$0x8], $0x6000, $0x38;
	[tilespmem:$0x18800] =	vst v63  }
0xee: {  	_ =	swait.ge [sflag:s15], $0x6000  }
0xef: {  	[sflag:s15] =	ssyncset.done $0x0  }
0xf0: {  	[sflag:s15] =	ssyncadd.s32 $0xFFFFA000  }
0xf1: {  	v3 =	vld [tilespmem:$0x280];
	_ =	sdelay $0x4  }
0xf2: {  	v42 =	vshrl.u32 v3, $0x3  }
0xf3: {  	v4 =	vmul.u32 $0x30, v42  }
0xf4: {  	v3 =	vand.u32 $0x7, v3  }
0xf5: {  	v3 =	vor.u32 v3, v4  }
0xf6: {  	v4 =	vperm.xlane v3, v0;
	_ =	sdelay $0x1  }
0xf7: {  	v4 =	vadd.s32 v1, v4;
	_ =	sdelay $0x3  }
0xf8: {  	s19 =	simm.s32 $0x6800;
	v3 =	vperm.xlane v3, v2  }
0xf9: {  	[tilespmem:s19], [sflag:$0x2] =	stream.indirect_vreg.gather [hbm4b:s1+s3], $0x80, v4, vm0, $0xb8;
	[tilespmem:$0x18800] =	vst v63  }
0xfa: {  	s24 =	simm.s32 $0x7000;
	v3 =	vadd.s32 v1, v3  }
0xfb: {  	[tilespmem:s24], [sflag:$0x2] =	stream.indirect_vreg.gather [hbm4b:s5+s3], $0x80, v4, vm0, $0xb8;
	[tilespmem:$0x18800] =	vst v63  }
0xfc: {  	s9 =	simm.s32 $0x7800  }
0xfd: {  	[tilespmem:s9], [sflag:$0x2] =	stream.indirect_vreg.gather [hbm4b:s6+s3], $0x80, v4, vm0, $0xb8;
	[tilespmem:$0x18800] =	vst v63  }
0xfe: {  	s20 =	simm.s32 $0x8000  }
0xff: {  	[tilespmem:s20], [sflag:$0x2] =	stream.indirect_vreg.gather [hbm4b:s1+s3], $0x80, v3, vm0, $0xb8;
	[tilespmem:$0x18800] =	vst v63  }
0x100: {  	s26 =	simm.s32 $0x8800  }
0x101: {  	[tilespmem:s26], [sflag:$0x2] =	stream.indirect_vreg.gather [hbm4b:s5+s3], $0x80, v3, vm0, $0xb8;
	[tilespmem:$0x18800] =	vst v63  }
0x102: {  	s2 =	simm.s32 $0x9000  }
0x103: {  	[tilespmem:s2], [sflag:$0x2] =	stream.indirect_vreg.gather [hbm4b:s6+s3], $0x80, v3, vm0, $0xb8;
	[tilespmem:$0x18800] =	vst v63  }
0x104: {  	v3 =	vld [tilespmem:$0x290];
	_ =	sdelay $0x4  }
0x105: {  	v43 =	vshrl.u32 v3, $0x3  }
0x106: {  	v4 =	vmul.u32 $0x30, v43  }
0x107: {  	v3 =	vand.u32 $0x7, v3  }
0x108: {  	v3 =	vor.u32 v3, v4  }
0x109: {  	v4 =	vperm.xlane v3, v0;
	_ =	sdelay $0x1  }
0x10a: {  	v4 =	vadd.s32 v1, v4;
	_ =	sdelay $0x3  }
0x10b: {  	s29 =	simm.s32 $0x9800;
	v3 =	vperm.xlane v3, v2  }
0x10c: {  	[tilespmem:s29], [sflag:$0x2] =	stream.indirect_vreg.gather [hbm4b:s1+s3], $0x80, v4, vm0, $0xb8;
	[tilespmem:$0x18800] =	vst v63  }
0x10d: {  	s28 =	simm.s32 $0xA000;
	v3 =	vadd.s32 v1, v3  }
0x10e: {  	[tilespmem:s28], [sflag:$0x2] =	stream.indirect_vreg.gather [hbm4b:s5+s3], $0x80, v4, vm0, $0xb8;
	[tilespmem:$0x18800] =	vst v63  }
0x10f: {  	s29 =	simm.s32 $0xA800  }
0x110: {  	[tilespmem:s29], [sflag:$0x2] =	stream.indirect_vreg.gather [hbm4b:s6+s3], $0x80, v4, vm0, $0xb8;
	[tilespmem:$0x18800] =	vst v63  }
0x111: {  	s31 =	simm.s32 $0xB000  }
0x112: {  	[tilespmem:s31], [sflag:$0x2] =	stream.indirect_vreg.gather [hbm4b:s1+s3], $0x80, v3, vm0, $0xb8;
	[tilespmem:$0x18800] =	vst v63  }
0x113: {  	s20 =	simm.s32 $0xB800  }
0x114: {  	[tilespmem:s20], [sflag:$0x2] =	stream.indirect_vreg.gather [hbm4b:s5+s3], $0x80, v3, vm0, $0xb8;
	[tilespmem:$0x18800] =	vst v63  }
0x115: {  	s19 =	simm.s32 $0xC000  }
0x116: {  	[tilespmem:s19], [sflag:$0x2] =	stream.indirect_vreg.gather [hbm4b:s6+s3], $0x80, v3, vm0, $0xb8;
	[tilespmem:$0x18800] =	vst v63  }
0x117: {  	_ =	swait.ge [sflag:s4], $0x6000  }
0x118: {  	[sflag:s4] =	ssyncset.done $0x0  }
0x119: {  	s24 =	rddreg [dreg:$0x8];
	[sflag:s4] =	ssyncadd.s32 $0xFFFFA000  }
0x11a: {  	[hbm4b:s24+s3] =	stream.linear.scatter [tilespmem:s21], [sflag:$0x5], $0x6000, $0x38;
	[tilespmem:$0x18800] =	vst v63  }
0x11b: {  	_ =	swait.ge [sflag:s16], $0x6000  }
0x11c: {  	[sflag:s16] =	ssyncset.done $0x0  }
0x11d: {  	[sflag:s16] =	ssyncadd.s32 $0xFFFFA000  }
0x11e: {  	v3 =	vld [tilespmem:$0x300];
	_ =	sdelay $0x4  }
0x11f: {  	v44 =	vshrl.u32 v3, $0x3  }
0x120: {  	v4 =	vmul.u32 $0x30, v44  }
0x121: {  	v3 =	vand.u32 $0x7, v3  }
0x122: {  	v3 =	vor.u32 v3, v4  }
0x123: {  	v4 =	vperm.xlane v3, v0;
	_ =	sdelay $0x1  }
0x124: {  	v4 =	vadd.s32 v1, v4;
	_ =	sdelay $0x3  }
0x125: {  	s8 =	simm.s32 $0xC800;
	v3 =	vperm.xlane v3, v2  }
0x126: {  	[tilespmem:s8], [sflag:$0x3] =	stream.indirect_vreg.gather [hbm4b:s1+s3], $0x80, v4, vm0, $0xb8;
	[tilespmem:$0x18800] =	vst v63  }
0x127: {  	v3 =	vadd.s32 v1, v3;
	s8 =	simm.s32 $0xD000  }
0x128: {  	[tilespmem:s8], [sflag:$0x3] =	stream.indirect_vreg.gather [hbm4b:s5+s3], $0x80, v4, vm0, $0xb8;
	[tilespmem:$0x18800] =	vst v63  }
0x129: {  	s26 =	simm.s32 $0xD800  }
0x12a: {  	[tilespmem:s26], [sflag:$0x3] =	stream.indirect_vreg.gather [hbm4b:s6+s3], $0x80, v4, vm0, $0xb8;
	[tilespmem:$0x18800] =	vst v63  }
0x12b: {  	s9 =	simm.s32 $0xE000  }
0x12c: {  	[tilespmem:s9], [sflag:$0x3] =	stream.indirect_vreg.gather [hbm4b:s1+s3], $0x80, v3, vm0, $0xb8;
	[tilespmem:$0x18800] =	vst v63  }
0x12d: {  	s20 =	simm.s32 $0xE800  }
0x12e: {  	[tilespmem:s20], [sflag:$0x3] =	stream.indirect_vreg.gather [hbm4b:s5+s3], $0x80, v3, vm0, $0xb8;
	[tilespmem:$0x18800] =	vst v63  }
0x12f: {  	s28 =	simm.s32 $0xF000  }
0x130: {  	[tilespmem:s28], [sflag:$0x3] =	stream.indirect_vreg.gather [hbm4b:s6+s3], $0x80, v3, vm0, $0xb8;
	[tilespmem:$0x18800] =	vst v63  }
0x131: {  	v3 =	vld [tilespmem:$0x310];
	_ =	sdelay $0x4  }
0x132: {  	v45 =	vshrl.u32 v3, $0x3  }
0x133: {  	v4 =	vmul.u32 $0x30, v45  }
0x134: {  	v3 =	vand.u32 $0x7, v3  }
0x135: {  	v3 =	vor.u32 v3, v4  }
0x136: {  	v4 =	vperm.xlane v3, v0;
	_ =	sdelay $0x1  }
0x137: {  	v4 =	vadd.s32 v1, v4;
	_ =	sdelay $0x3  }
0x138: {  	s25 =	simm.s32 $0xF800;
	v3 =	vperm.xlane v3, v2  }
0x139: {  	[tilespmem:s25], [sflag:$0x3] =	stream.indirect_vreg.gather [hbm4b:s1+s3], $0x80, v4, vm0, $0xb8;
	[tilespmem:$0x18800] =	vst v63  }
0x13a: {  	s24 =	simm.s32 $0x10000;
	v3 =	vadd.s32 v1, v3  }
0x13b: {  	[tilespmem:s24], [sflag:$0x3] =	stream.indirect_vreg.gather [hbm4b:s5+s3], $0x80, v4, vm0, $0xb8;
	[tilespmem:$0x18800] =	vst v63  }
0x13c: {  	s25 =	simm.s32 $0x10800  }
0x13d: {  	[tilespmem:s25], [sflag:$0x3] =	stream.indirect_vreg.gather [hbm4b:s6+s3], $0x80, v4, vm0, $0xb8;
	[tilespmem:$0x18800] =	vst v63  }
0x13e: {  	s26 =	simm.s32 $0x11000  }
0x13f: {  	[tilespmem:s26], [sflag:$0x3] =	stream.indirect_vreg.gather [hbm4b:s1+s3], $0x80, v3, vm0, $0xb8;
	[tilespmem:$0x18800] =	vst v63  }
0x140: {  	s28 =	simm.s32 $0x11800  }
0x141: {  	[tilespmem:s28], [sflag:$0x3] =	stream.indirect_vreg.gather [hbm4b:s5+s3], $0x80, v3, vm0, $0xb8;
	[tilespmem:$0x18800] =	vst v63  }
0x142: {  	s18 =	simm.s32 $0x12000  }
0x143: {  	[tilespmem:s18], [sflag:$0x3] =	stream.indirect_vreg.gather [hbm4b:s6+s3], $0x80, v3, vm0, $0xb8;
	[tilespmem:$0x18800] =	vst v63  }
0x144: {  	_ =	swait.ge [sflag:s22], $0x6000  }
0x145: {  	[sflag:s22] =	ssyncset.done $0x0  }
0x146: {  	s10 =	simm.s32 $0x6800;
	s2 =	rddreg [dreg:$0x9];
	[sflag:s22] =	ssyncadd.s32 $0xFFFFA000  }
0x147: {  	[hbm4b:s2+s3] =	stream.linear.scatter [tilespmem:s10], [sflag:$0x6], $0x6000, $0x38;
	[tilespmem:$0x18800] =	vst v63  }
0x148: {  	_ =	swait.ge [sflag:s17], $0x6000  }
0x149: {  	[sflag:s17] =	ssyncset.done $0x0  }
0x14a: {  	[sflag:s17] =	ssyncadd.s32 $0xFFFFA000  }
0x14b: {  	v3 =	vld [tilespmem:$0x380];
	_ =	sdelay $0x4  }
0x14c: {  	v46 =	vshrl.u32 v3, $0x3  }
0x14d: {  	v4 =	vmul.u32 $0x30, v46  }
0x14e: {  	v3 =	vand.u32 $0x7, v3  }
0x14f: {  	v3 =	vor.u32 v3, v4  }
0x150: {  	v4 =	vperm.xlane v3, v0;
	_ =	sdelay $0x1  }
0x151: {  	v4 =	vadd.s32 v1, v4;
	_ =	sdelay $0x3  }
0x152: {  	v3 =	vperm.xlane v3, v2  }
0x153: {  	[tilespmem:s11], [sflag:$0x4] =	stream.indirect_vreg.gather [hbm4b:s1+s3], $0x80, v4, vm0, $0xb8;
	[tilespmem:$0x18800] =	vst v63  }
0x154: {  	s18 =	simm.s32 $0x13000;
	v3 =	vadd.s32 v1, v3  }
0x155: {  	[tilespmem:s18], [sflag:$0x4] =	stream.indirect_vreg.gather [hbm4b:s5+s3], $0x80, v4, vm0, $0xb8;
	[tilespmem:$0x18800] =	vst v63  }
0x156: {  	s18 =	simm.s32 $0x13800  }
0x157: {  	[tilespmem:s18], [sflag:$0x4] =	stream.indirect_vreg.gather [hbm4b:s6+s3], $0x80, v4, vm0, $0xb8;
	[tilespmem:$0x18800] =	vst v63  }
0x158: {  	s18 =	simm.s32 $0x14000  }
0x159: {  	[tilespmem:s18], [sflag:$0x4] =	stream.indirect_vreg.gather [hbm4b:s1+s3], $0x80, v3, vm0, $0xb8;
	[tilespmem:$0x18800] =	vst v63  }
0x15a: {  	s18 =	simm.s32 $0x14800  }
0x15b: {  	[tilespmem:s18], [sflag:$0x4] =	stream.indirect_vreg.gather [hbm4b:s5+s3], $0x80, v3, vm0, $0xb8;
	[tilespmem:$0x18800] =	vst v63  }
0x15c: {  	s18 =	simm.s32 $0x15000  }
0x15d: {  	[tilespmem:s18], [sflag:$0x4] =	stream.indirect_vreg.gather [hbm4b:s6+s3], $0x80, v3, vm0, $0xb8;
	[tilespmem:$0x18800] =	vst v63  }
0x15e: {  	v3 =	vld [tilespmem:$0x390];
	_ =	sdelay $0x4  }
0x15f: {  	v47 =	vshrl.u32 v3, $0x3  }
0x160: {  	v4 =	vmul.u32 $0x30, v47  }
0x161: {  	v3 =	vand.u32 $0x7, v3  }
0x162: {  	v3 =	vor.u32 v3, v4  }
0x163: {  	v4 =	vperm.xlane v3, v0;
	_ =	sdelay $0x1  }
0x164: {  	v4 =	vadd.s32 v1, v4;
	_ =	sdelay $0x3  }
0x165: {  	s18 =	simm.s32 $0x15800;
	v3 =	vperm.xlane v3, v2  }
0x166: {  	[tilespmem:s18], [sflag:$0x4] =	stream.indirect_vreg.gather [hbm4b:s1+s3], $0x80, v4, vm0, $0xb8;
	[tilespmem:$0x18800] =	vst v63  }
0x167: {  	v3 =	vadd.s32 v1, v3;
	s18 =	simm.s32 $0x16000  }
0x168: {  	[tilespmem:s18], [sflag:$0x4] =	stream.indirect_vreg.gather [hbm4b:s5+s3], $0x80, v4, vm0, $0xb8;
	[tilespmem:$0x18800] =	vst v63  }
0x169: {  	s18 =	simm.s32 $0x16800  }
0x16a: {  	[tilespmem:s18], [sflag:$0x4] =	stream.indirect_vreg.gather [hbm4b:s6+s3], $0x80, v4, vm0, $0xb8;
	[tilespmem:$0x18800] =	vst v63  }
0x16b: {  	s18 =	simm.s32 $0x17000  }
0x16c: {  	[tilespmem:s18], [sflag:$0x4] =	stream.indirect_vreg.gather [hbm4b:s1+s3], $0x80, v3, vm0, $0xb8;
	[tilespmem:$0x18800] =	vst v63  }
0x16d: {  	s18 =	simm.s32 $0x17800  }
0x16e: {  	[tilespmem:s18], [sflag:$0x4] =	stream.indirect_vreg.gather [hbm4b:s5+s3], $0x80, v3, vm0, $0xb8;
	[tilespmem:$0x18800] =	vst v63  }
0x16f: {  	s18 =	simm.s32 $0x18000  }
0x170: {  	[tilespmem:s18], [sflag:$0x4] =	stream.indirect_vreg.gather [hbm4b:s6+s3], $0x80, v3, vm0, $0xb8;
	[tilespmem:$0x18800] =	vst v63  }
0x171: {  	_ =	swait.ge [sflag:s12], $0x6000  }
0x172: {  	[sflag:s12] =	ssyncset.done $0x0  }
0x173: {  	s0 =	simm.s32 $0xC800;
	s2 =	rddreg [dreg:$0xa];
	[sflag:s12] =	ssyncadd.s32 $0xFFFFA000  }
0x174: {  	[hbm4b:s2+s3] =	stream.linear.scatter [tilespmem:s0], [sflag:$0x7], $0x6000, $0x38;
	[tilespmem:$0x18800] =	vst v63  }
0x175: {  	_ =	swait.ge [sflag:s13], $0x6000  }
0x176: {  	[sflag:s13] =	ssyncset.done $0x0  }
0x177: {  	[sflag:s13] =	ssyncadd.s32 $0xFFFFA000  }
0x178: {  	v3 =	vld [tilespmem:$0x400];
	_ =	sdelay $0x4  }
0x179: {  	v48 =	vshrl.u32 v3, $0x3  }
0x17a: {  	v4 =	vmul.u32 $0x30, v48  }
0x17b: {  	v3 =	vand.u32 $0x7, v3  }
0x17c: {  	v3 =	vor.u32 v3, v4  }
0x17d: {  	v4 =	vperm.xlane v3, v0;
	_ =	sdelay $0x1  }
0x17e: {  	v4 =	vadd.s32 v1, v4;
	_ =	sdelay $0x3  }
0x17f: {  	v3 =	vperm.xlane v3, v2  }
0x180: {  	[tilespmem:s21], [sflag:$0x1] =	stream.indirect_vreg.gather [hbm4b:s1+s3], $0x80, v4, vm0, $0xb8;
	[tilespmem:$0x18800] =	vst v63  }
0x181: {  	s18 =	simm.s32 $0x1000;
	v3 =	vadd.s32 v1, v3  }
0x182: {  	[tilespmem:s18], [sflag:$0x1] =	stream.indirect_vreg.gather [hbm4b:s5+s3], $0x80, v4, vm0, $0xb8;
	[tilespmem:$0x18800] =	vst v63  }
0x183: {  	s18 =	simm.s32 $0x1800  }
0x184: {  	[tilespmem:s18], [sflag:$0x1] =	stream.indirect_vreg.gather [hbm4b:s6+s3], $0x80, v4, vm0, $0xb8;
	[tilespmem:$0x18800] =	vst v63  }
0x185: {  	_ = 	snop  }
0x186: {  	[tilespmem:s30], [sflag:$0x1] =	stream.indirect_vreg.gather [hbm4b:s1+s3], $0x80, v3, vm0, $0xb8;
	[tilespmem:$0x18800] =	vst v63  }
0x187: {  	s18 =	simm.s32 $0x2800  }
0x188: {  	[tilespmem:s18], [sflag:$0x1] =	stream.indirect_vreg.gather [hbm4b:s5+s3], $0x80, v3, vm0, $0xb8;
	[tilespmem:$0x18800] =	vst v63  }
0x189: {  	s0 =	simm.s32 $0x3000  }
0x18a: {  	[tilespmem:s0], [sflag:$0x1] =	stream.indirect_vreg.gather [hbm4b:s6+s3], $0x80, v3, vm0, $0xb8;
	[tilespmem:$0x18800] =	vst v63  }
0x18b: {  	v3 =	vld [tilespmem:$0x410];
	_ =	sdelay $0x4  }
0x18c: {  	v49 =	vshrl.u32 v3, $0x3  }
0x18d: {  	v4 =	vmul.u32 $0x30, v49  }
0x18e: {  	v3 =	vand.u32 $0x7, v3  }
0x18f: {  	v3 =	vor.u32 v3, v4  }
0x190: {  	v4 =	vperm.xlane v3, v0;
	_ =	sdelay $0x1  }
0x191: {  	v4 =	vadd.s32 v1, v4;
	_ =	sdelay $0x3  }
0x192: {  	s0 =	simm.s32 $0x3800;
	v3 =	vperm.xlane v3, v2  }
0x193: {  	[tilespmem:s0], [sflag:$0x1] =	stream.indirect_vreg.gather [hbm4b:s1+s3], $0x80, v4, vm0, $0xb8;
	[tilespmem:$0x18800] =	vst v63  }
0x194: {  	v3 =	vadd.s32 v1, v3  }
0x195: {  	[tilespmem:s23], [sflag:$0x1] =	stream.indirect_vreg.gather [hbm4b:s5+s3], $0x80, v4, vm0, $0xb8;
	[tilespmem:$0x18800] =	vst v63  }
0x196: {  	s0 =	simm.s32 $0x4800  }
0x197: {  	[tilespmem:s0], [sflag:$0x1] =	stream.indirect_vreg.gather [hbm4b:s6+s3], $0x80, v4, vm0, $0xb8;
	[tilespmem:$0x18800] =	vst v63  }
0x198: {  	s0 =	simm.s32 $0x5000  }
0x199: {  	[tilespmem:s0], [sflag:$0x1] =	stream.indirect_vreg.gather [hbm4b:s1+s3], $0x80, v3, vm0, $0xb8;
	[tilespmem:$0x18800] =	vst v63  }
0x19a: {  	s0 =	simm.s32 $0x5800  }
0x19b: {  	[tilespmem:s0], [sflag:$0x1] =	stream.indirect_vreg.gather [hbm4b:s5+s3], $0x80, v3, vm0, $0xb8;
	[tilespmem:$0x18800] =	vst v63  }
0x19c: {  	s0 =	simm.s32 $0x6000  }
0x19d: {  	[tilespmem:s0], [sflag:$0x1] =	stream.indirect_vreg.gather [hbm4b:s6+s3], $0x80, v3, vm0, $0xb8;
	[tilespmem:$0x18800] =	vst v63  }
0x19e: {  	_ =	swait.ge [sflag:s14], $0x6000  }
0x19f: {  	[sflag:s14] =	ssyncset.done $0x0  }
0x1a0: {  	s0 =	rddreg [dreg:$0xb];
	[sflag:s14] =	ssyncadd.s32 $0xFFFFA000  }
0x1a1: {  	[hbm4b:s0+s3] =	stream.linear.scatter [tilespmem:s11], [sflag:$0x8], $0x6000, $0x38;
	[tilespmem:$0x18800] =	vst v63  }
0x1a2: {  	_ =	swait.ge [sflag:s15], $0x6000  }
0x1a3: {  	[sflag:s15] =	ssyncset.done $0x0  }
0x1a4: {  	[sflag:s15] =	ssyncadd.s32 $0xFFFFA000  }
0x1a5: {  	v3 =	vld [tilespmem:$0x480];
	_ =	sdelay $0x4  }
0x1a6: {  	v50 =	vshrl.u32 v3, $0x3  }
0x1a7: {  	v4 =	vmul.u32 $0x30, v50  }
0x1a8: {  	v3 =	vand.u32 $0x7, v3  }
0x1a9: {  	v3 =	vor.u32 v3, v4  }
0x1aa: {  	v4 =	vperm.xlane v3, v0;
	_ =	sdelay $0x1  }
0x1ab: {  	v4 =	vadd.s32 v1, v4;
	_ =	sdelay $0x3  }
0x1ac: {  	v3 =	vperm.xlane v3, v2  }
0x1ad: {  	[tilespmem:s10], [sflag:$0x2] =	stream.indirect_vreg.gather [hbm4b:s1+s3], $0x80, v4, vm0, $0xb8;
	[tilespmem:$0x18800] =	vst v63  }
0x1ae: {  	v3 =	vadd.s32 v1, v3;
	s10 =	simm.s32 $0x7000  }
0x1af: {  	[tilespmem:s10], [sflag:$0x2] =	stream.indirect_vreg.gather [hbm4b:s5+s3], $0x80, v4, vm0, $0xb8;
	[tilespmem:$0x18800] =	vst v63  }
0x1b0: {  	s18 =	simm.s32 $0x7800  }
0x1b1: {  	[tilespmem:s18], [sflag:$0x2] =	stream.indirect_vreg.gather [hbm4b:s6+s3], $0x80, v4, vm0, $0xb8;
	[tilespmem:$0x18800] =	vst v63  }
0x1b2: {  	s10 =	simm.s32 $0x8000  }
0x1b3: {  	[tilespmem:s10], [sflag:$0x2] =	stream.indirect_vreg.gather [hbm4b:s1+s3], $0x80, v3, vm0, $0xb8;
	[tilespmem:$0x18800] =	vst v63  }
0x1b4: {  	s18 =	simm.s32 $0x8800  }
0x1b5: {  	[tilespmem:s18], [sflag:$0x2] =	stream.indirect_vreg.gather [hbm4b:s5+s3], $0x80, v3, vm0, $0xb8;
	[tilespmem:$0x18800] =	vst v63  }
0x1b6: {  	s10 =	simm.s32 $0x9000  }
0x1b7: {  	[tilespmem:s10], [sflag:$0x2] =	stream.indirect_vreg.gather [hbm4b:s6+s3], $0x80, v3, vm0, $0xb8;
	[tilespmem:$0x18800] =	vst v63  }
0x1b8: {  	v3 =	vld [tilespmem:$0x490];
	_ =	sdelay $0x4  }
0x1b9: {  	v51 =	vshrl.u32 v3, $0x3  }
0x1ba: {  	v4 =	vmul.u32 $0x30, v51  }
0x1bb: {  	v3 =	vand.u32 $0x7, v3  }
0x1bc: {  	v3 =	vor.u32 v3, v4  }
0x1bd: {  	v4 =	vperm.xlane v3, v0;
	_ =	sdelay $0x1  }
0x1be: {  	v4 =	vadd.s32 v1, v4;
	_ =	sdelay $0x3  }
0x1bf: {  	s18 =	simm.s32 $0x9800;
	v3 =	vperm.xlane v3, v2  }
0x1c0: {  	[tilespmem:s18], [sflag:$0x2] =	stream.indirect_vreg.gather [hbm4b:s1+s3], $0x80, v4, vm0, $0xb8;
	[tilespmem:$0x18800] =	vst v63  }
0x1c1: {  	s10 =	simm.s32 $0xA000;
	v3 =	vadd.s32 v1, v3  }
0x1c2: {  	[tilespmem:s10], [sflag:$0x2] =	stream.indirect_vreg.gather [hbm4b:s5+s3], $0x80, v4, vm0, $0xb8;
	[tilespmem:$0x18800] =	vst v63  }
0x1c3: {  	_ = 	snop  }
0x1c4: {  	[tilespmem:s29], [sflag:$0x2] =	stream.indirect_vreg.gather [hbm4b:s6+s3], $0x80, v4, vm0, $0xb8;
	[tilespmem:$0x18800] =	vst v63  }
0x1c5: {  	_ = 	snop  }
0x1c6: {  	[tilespmem:s31], [sflag:$0x2] =	stream.indirect_vreg.gather [hbm4b:s1+s3], $0x80, v3, vm0, $0xb8;
	[tilespmem:$0x18800] =	vst v63  }
0x1c7: {  	s18 =	simm.s32 $0xB800  }
0x1c8: {  	[tilespmem:s18], [sflag:$0x2] =	stream.indirect_vreg.gather [hbm4b:s5+s3], $0x80, v3, vm0, $0xb8;
	[tilespmem:$0x18800] =	vst v63  }
0x1c9: {  	_ = 	snop  }
0x1ca: {  	[tilespmem:s19], [sflag:$0x2] =	stream.indirect_vreg.gather [hbm4b:s6+s3], $0x80, v3, vm0, $0xb8;
	[tilespmem:$0x18800] =	vst v63  }
0x1cb: {  	_ =	swait.ge [sflag:s4], $0x6000  }
0x1cc: {  	[sflag:s4] =	ssyncset.done $0x0  }
0x1cd: {  	s10 =	rddreg [dreg:$0xc];
	[sflag:s4] =	ssyncadd.s32 $0xFFFFA000  }
0x1ce: {  	[hbm4b:s10+s3] =	stream.linear.scatter [tilespmem:s21], [sflag:$0x5], $0x6000, $0x38;
	[tilespmem:$0x18800] =	vst v63  }
0x1cf: {  	_ =	swait.ge [sflag:s16], $0x6000  }
0x1d0: {  	[sflag:s16] =	ssyncset.done $0x0  }
0x1d1: {  	[sflag:s16] =	ssyncadd.s32 $0xFFFFA000  }
0x1d2: {  	v3 =	vld [tilespmem:$0x500];
	_ =	sdelay $0x4  }
0x1d3: {  	v52 =	vshrl.u32 v3, $0x3  }
0x1d4: {  	v4 =	vmul.u32 $0x30, v52  }
0x1d5: {  	v3 =	vand.u32 $0x7, v3  }
0x1d6: {  	v3 =	vor.u32 v3, v4  }
0x1d7: {  	v4 =	vperm.xlane v3, v0;
	_ =	sdelay $0x1  }
0x1d8: {  	v4 =	vadd.s32 v1, v4;
	_ =	sdelay $0x3  }
0x1d9: {  	s2 =	simm.s32 $0xC800;
	v3 =	vperm.xlane v3, v2  }
0x1da: {  	[tilespmem:s2], [sflag:$0x3] =	stream.indirect_vreg.gather [hbm4b:s1+s3], $0x80, v4, vm0, $0xb8;
	[tilespmem:$0x18800] =	vst v63  }
0x1db: {  	v3 =	vadd.s32 v1, v3  }
0x1dc: {  	[tilespmem:s8], [sflag:$0x3] =	stream.indirect_vreg.gather [hbm4b:s5+s3], $0x80, v4, vm0, $0xb8;
	[tilespmem:$0x18800] =	vst v63  }
0x1dd: {  	s18 =	simm.s32 $0xD800  }
0x1de: {  	[tilespmem:s18], [sflag:$0x3] =	stream.indirect_vreg.gather [hbm4b:s6+s3], $0x80, v4, vm0, $0xb8;
	[tilespmem:$0x18800] =	vst v63  }
0x1df: {  	_ = 	snop  }
0x1e0: {  	[tilespmem:s9], [sflag:$0x3] =	stream.indirect_vreg.gather [hbm4b:s1+s3], $0x80, v3, vm0, $0xb8;
	[tilespmem:$0x18800] =	vst v63  }
0x1e1: {  	_ = 	snop  }
0x1e2: {  	[tilespmem:s20], [sflag:$0x3] =	stream.indirect_vreg.gather [hbm4b:s5+s3], $0x80, v3, vm0, $0xb8;
	[tilespmem:$0x18800] =	vst v63  }
0x1e3: {  	s8 =	simm.s32 $0xF000  }
0x1e4: {  	[tilespmem:s8], [sflag:$0x3] =	stream.indirect_vreg.gather [hbm4b:s6+s3], $0x80, v3, vm0, $0xb8;
	[tilespmem:$0x18800] =	vst v63  }
0x1e5: {  	v3 =	vld [tilespmem:$0x510];
	_ =	sdelay $0x4  }
0x1e6: {  	v53 =	vshrl.u32 v3, $0x3  }
0x1e7: {  	v4 =	vmul.u32 $0x30, v53  }
0x1e8: {  	v3 =	vand.u32 $0x7, v3  }
0x1e9: {  	v3 =	vor.u32 v3, v4  }
0x1ea: {  	v4 =	vperm.xlane v3, v0;
	_ =	sdelay $0x1  }
0x1eb: {  	v4 =	vadd.s32 v1, v4;
	_ =	sdelay $0x3  }
0x1ec: {  	s10 =	simm.s32 $0xF800;
	v3 =	vperm.xlane v3, v2  }
0x1ed: {  	[tilespmem:s10], [sflag:$0x3] =	stream.indirect_vreg.gather [hbm4b:s1+s3], $0x80, v4, vm0, $0xb8;
	[tilespmem:$0x18800] =	vst v63  }
0x1ee: {  	v3 =	vadd.s32 v1, v3  }
0x1ef: {  	[tilespmem:s24], [sflag:$0x3] =	stream.indirect_vreg.gather [hbm4b:s5+s3], $0x80, v4, vm0, $0xb8;
	[tilespmem:$0x18800] =	vst v63  }
0x1f0: {  	_ = 	snop  }
0x1f1: {  	[tilespmem:s25], [sflag:$0x3] =	stream.indirect_vreg.gather [hbm4b:s6+s3], $0x80, v4, vm0, $0xb8;
	[tilespmem:$0x18800] =	vst v63  }
0x1f2: {  	_ = 	snop  }
0x1f3: {  	[tilespmem:s26], [sflag:$0x3] =	stream.indirect_vreg.gather [hbm4b:s1+s3], $0x80, v3, vm0, $0xb8;
	[tilespmem:$0x18800] =	vst v63  }
0x1f4: {  	_ = 	snop  }
0x1f5: {  	[tilespmem:s28], [sflag:$0x3] =	stream.indirect_vreg.gather [hbm4b:s5+s3], $0x80, v3, vm0, $0xb8;
	[tilespmem:$0x18800] =	vst v63  }
0x1f6: {  	s18 =	simm.s32 $0x12000  }
0x1f7: {  	[tilespmem:s18], [sflag:$0x3] =	stream.indirect_vreg.gather [hbm4b:s6+s3], $0x80, v3, vm0, $0xb8;
	[tilespmem:$0x18800] =	vst v63  }
0x1f8: {  	_ =	swait.ge [sflag:s22], $0x6000  }
0x1f9: {  	[sflag:s22] =	ssyncset.done $0x0  }
0x1fa: {  	s10 =	simm.s32 $0x6800;
	s8 =	rddreg [dreg:$0xd];
	[sflag:s22] =	ssyncadd.s32 $0xFFFFA000  }
0x1fb: {  	[hbm4b:s8+s3] =	stream.linear.scatter [tilespmem:s10], [sflag:$0x6], $0x6000, $0x38;
	[tilespmem:$0x18800] =	vst v63  }
0x1fc: {  	_ =	swait.ge [sflag:s17], $0x6000  }
0x1fd: {  	[sflag:s17] =	ssyncset.done $0x0  }
0x1fe: {  	[sflag:s17] =	ssyncadd.s32 $0xFFFFA000  }
0x1ff: {  	v3 =	vld [tilespmem:$0x580];
	_ =	sdelay $0x4  }
0x200: {  	v54 =	vshrl.u32 v3, $0x3  }
0x201: {  	v4 =	vmul.u32 $0x30, v54  }
0x202: {  	v3 =	vand.u32 $0x7, v3  }
0x203: {  	v3 =	vor.u32 v3, v4  }
0x204: {  	v4 =	vperm.xlane v3, v0;
	_ =	sdelay $0x1  }
0x205: {  	v4 =	vadd.s32 v1, v4;
	_ =	sdelay $0x3  }
0x206: {  	v3 =	vperm.xlane v3, v2  }
0x207: {  	[tilespmem:s11], [sflag:$0x4] =	stream.indirect_vreg.gather [hbm4b:s1+s3], $0x80, v4, vm0, $0xb8;
	[tilespmem:$0x18800] =	vst v63  }
0x208: {  	s8 =	simm.s32 $0x13000;
	v3 =	vadd.s32 v1, v3  }
0x209: {  	[tilespmem:s8], [sflag:$0x4] =	stream.indirect_vreg.gather [hbm4b:s5+s3], $0x80, v4, vm0, $0xb8;
	[tilespmem:$0x18800] =	vst v63  }
0x20a: {  	s0 =	simm.s32 $0x13800  }
0x20b: {  	[tilespmem:s0], [sflag:$0x4] =	stream.indirect_vreg.gather [hbm4b:s6+s3], $0x80, v4, vm0, $0xb8;
	[tilespmem:$0x18800] =	vst v63  }
0x20c: {  	s0 =	simm.s32 $0x14000  }
0x20d: {  	[tilespmem:s0], [sflag:$0x4] =	stream.indirect_vreg.gather [hbm4b:s1+s3], $0x80, v3, vm0, $0xb8;
	[tilespmem:$0x18800] =	vst v63  }
0x20e: {  	s0 =	simm.s32 $0x14800  }
0x20f: {  	[tilespmem:s0], [sflag:$0x4] =	stream.indirect_vreg.gather [hbm4b:s5+s3], $0x80, v3, vm0, $0xb8;
	[tilespmem:$0x18800] =	vst v63  }
0x210: {  	s0 =	simm.s32 $0x15000  }
0x211: {  	[tilespmem:s0], [sflag:$0x4] =	stream.indirect_vreg.gather [hbm4b:s6+s3], $0x80, v3, vm0, $0xb8;
	[tilespmem:$0x18800] =	vst v63  }
0x212: {  	v3 =	vld [tilespmem:$0x590];
	_ =	sdelay $0x4  }
0x213: {  	v55 =	vshrl.u32 v3, $0x3  }
0x214: {  	v4 =	vmul.u32 $0x30, v55  }
0x215: {  	v3 =	vand.u32 $0x7, v3  }
0x216: {  	v3 =	vor.u32 v3, v4  }
0x217: {  	v4 =	vperm.xlane v3, v0;
	_ =	sdelay $0x1  }
0x218: {  	v4 =	vadd.s32 v1, v4;
	_ =	sdelay $0x3  }
0x219: {  	s0 =	simm.s32 $0x15800;
	v3 =	vperm.xlane v3, v2  }
0x21a: {  	[tilespmem:s0], [sflag:$0x4] =	stream.indirect_vreg.gather [hbm4b:s1+s3], $0x80, v4, vm0, $0xb8;
	[tilespmem:$0x18800] =	vst v63  }
0x21b: {  	v3 =	vadd.s32 v1, v3;
	s0 =	simm.s32 $0x16000  }
0x21c: {  	[tilespmem:s0], [sflag:$0x4] =	stream.indirect_vreg.gather [hbm4b:s5+s3], $0x80, v4, vm0, $0xb8;
	[tilespmem:$0x18800] =	vst v63  }
0x21d: {  	s0 =	simm.s32 $0x16800  }
0x21e: {  	[tilespmem:s0], [sflag:$0x4] =	stream.indirect_vreg.gather [hbm4b:s6+s3], $0x80, v4, vm0, $0xb8;
	[tilespmem:$0x18800] =	vst v63  }
0x21f: {  	s0 =	simm.s32 $0x17000  }
0x220: {  	[tilespmem:s0], [sflag:$0x4] =	stream.indirect_vreg.gather [hbm4b:s1+s3], $0x80, v3, vm0, $0xb8;
	[tilespmem:$0x18800] =	vst v63  }
0x221: {  	s0 =	simm.s32 $0x17800  }
0x222: {  	[tilespmem:s0], [sflag:$0x4] =	stream.indirect_vreg.gather [hbm4b:s5+s3], $0x80, v3, vm0, $0xb8;
	[tilespmem:$0x18800] =	vst v63  }
0x223: {  	s0 =	simm.s32 $0x18000  }
0x224: {  	[tilespmem:s0], [sflag:$0x4] =	stream.indirect_vreg.gather [hbm4b:s6+s3], $0x80, v3, vm0, $0xb8;
	[tilespmem:$0x18800] =	vst v63  }
0x225: {  	_ =	swait.ge [sflag:s12], $0x6000  }
0x226: {  	[sflag:s12] =	ssyncset.done $0x0  }
0x227: {  	s0 =	simm.s32 $0xC800;
	s18 =	rddreg [dreg:$0xe];
	[sflag:s12] =	ssyncadd.s32 $0xFFFFA000  }
0x228: {  	[hbm4b:s18+s3] =	stream.linear.scatter [tilespmem:s0], [sflag:$0x7], $0x6000, $0x38;
	[tilespmem:$0x18800] =	vst v63  }
0x229: {  	_ =	swait.ge [sflag:s13], $0x6000  }
0x22a: {  	[sflag:s13] =	ssyncset.done $0x0  }
0x22b: {  	[sflag:s13] =	ssyncadd.s32 $0xFFFFA000  }
0x22c: {  	v3 =	vld [tilespmem:$0x600];
	_ =	sdelay $0x4  }
0x22d: {  	v56 =	vshrl.u32 v3, $0x3  }
0x22e: {  	v4 =	vmul.u32 $0x30, v56  }
0x22f: {  	v3 =	vand.u32 $0x7, v3  }
0x230: {  	v3 =	vor.u32 v3, v4  }
0x231: {  	v4 =	vperm.xlane v3, v0;
	_ =	sdelay $0x1  }
0x232: {  	v4 =	vadd.s32 v1, v4;
	_ =	sdelay $0x3  }
0x233: {  	v3 =	vperm.xlane v3, v2  }
0x234: {  	[tilespmem:s21], [sflag:$0x1] =	stream.indirect_vreg.gather [hbm4b:s1+s3], $0x80, v4, vm0, $0xb8;
	[tilespmem:$0x18800] =	vst v63  }
0x235: {  	s18 =	simm.s32 $0x1000;
	v3 =	vadd.s32 v1, v3  }
0x236: {  	[tilespmem:s18], [sflag:$0x1] =	stream.indirect_vreg.gather [hbm4b:s5+s3], $0x80, v4, vm0, $0xb8;
	[tilespmem:$0x18800] =	vst v63  }
0x237: {  	s18 =	simm.s32 $0x1800  }
0x238: {  	[tilespmem:s18], [sflag:$0x1] =	stream.indirect_vreg.gather [hbm4b:s6+s3], $0x80, v4, vm0, $0xb8;
	[tilespmem:$0x18800] =	vst v63  }
0x239: {  	s30 =	simm.s32 $0x2000  }
0x23a: {  	[tilespmem:s30], [sflag:$0x1] =	stream.indirect_vreg.gather [hbm4b:s1+s3], $0x80, v3, vm0, $0xb8;
	[tilespmem:$0x18800] =	vst v63  }
0x23b: {  	s30 =	simm.s32 $0x2800  }
0x23c: {  	[tilespmem:s30], [sflag:$0x1] =	stream.indirect_vreg.gather [hbm4b:s5+s3], $0x80, v3, vm0, $0xb8;
	[tilespmem:$0x18800] =	vst v63  }
0x23d: {  	s30 =	simm.s32 $0x3000  }
0x23e: {  	[tilespmem:s30], [sflag:$0x1] =	stream.indirect_vreg.gather [hbm4b:s6+s3], $0x80, v3, vm0, $0xb8;
	[tilespmem:$0x18800] =	vst v63  }
0x23f: {  	v3 =	vld [tilespmem:$0x610];
	_ =	sdelay $0x4  }
0x240: {  	v57 =	vshrl.u32 v3, $0x3  }
0x241: {  	v4 =	vmul.u32 $0x30, v57  }
0x242: {  	v3 =	vand.u32 $0x7, v3  }
0x243: {  	v3 =	vor.u32 v3, v4  }
0x244: {  	v4 =	vperm.xlane v3, v0;
	_ =	sdelay $0x1  }
0x245: {  	v4 =	vadd.s32 v1, v4;
	_ =	sdelay $0x3  }
0x246: {  	s30 =	simm.s32 $0x3800;
	v3 =	vperm.xlane v3, v2  }
0x247: {  	[tilespmem:s30], [sflag:$0x1] =	stream.indirect_vreg.gather [hbm4b:s1+s3], $0x80, v4, vm0, $0xb8;
	[tilespmem:$0x18800] =	vst v63  }
0x248: {  	s23 =	simm.s32 $0x4000;
	v3 =	vadd.s32 v1, v3  }
0x249: {  	[tilespmem:s23], [sflag:$0x1] =	stream.indirect_vreg.gather [hbm4b:s5+s3], $0x80, v4, vm0, $0xb8;
	[tilespmem:$0x18800] =	vst v63  }
0x24a: {  	s23 =	simm.s32 $0x4800  }
0x24b: {  	[tilespmem:s23], [sflag:$0x1] =	stream.indirect_vreg.gather [hbm4b:s6+s3], $0x80, v4, vm0, $0xb8;
	[tilespmem:$0x18800] =	vst v63  }
0x24c: {  	s30 =	simm.s32 $0x5000  }
0x24d: {  	[tilespmem:s30], [sflag:$0x1] =	stream.indirect_vreg.gather [hbm4b:s1+s3], $0x80, v3, vm0, $0xb8;
	[tilespmem:$0x18800] =	vst v63  }
0x24e: {  	s23 =	simm.s32 $0x5800  }
0x24f: {  	[tilespmem:s23], [sflag:$0x1] =	stream.indirect_vreg.gather [hbm4b:s5+s3], $0x80, v3, vm0, $0xb8;
	[tilespmem:$0x18800] =	vst v63  }
0x250: {  	s30 =	simm.s32 $0x6000  }
0x251: {  	[tilespmem:s30], [sflag:$0x1] =	stream.indirect_vreg.gather [hbm4b:s6+s3], $0x80, v3, vm0, $0xb8;
	[tilespmem:$0x18800] =	vst v63  }
0x252: {  	_ =	swait.ge [sflag:s14], $0x6000  }
0x253: {  	[sflag:s14] =	ssyncset.done $0x0  }
0x254: {  	s23 =	rddreg [dreg:$0xf];
	[sflag:s14] =	ssyncadd.s32 $0xFFFFA000  }
0x255: {  	[hbm4b:s23+s3] =	stream.linear.scatter [tilespmem:s11], [sflag:$0x8], $0x6000, $0x38;
	[tilespmem:$0x18800] =	vst v63  }
0x256: {  	_ =	swait.ge [sflag:s15], $0x6000  }
0x257: {  	[sflag:s15] =	ssyncset.done $0x0  }
0x258: {  	[sflag:s15] =	ssyncadd.s32 $0xFFFFA000  }
0x259: {  	v3 =	vld [tilespmem:$0x680];
	_ =	sdelay $0x4  }
0x25a: {  	v58 =	vshrl.u32 v3, $0x3  }
0x25b: {  	v4 =	vmul.u32 $0x30, v58  }
0x25c: {  	v3 =	vand.u32 $0x7, v3  }
0x25d: {  	v3 =	vor.u32 v3, v4  }
0x25e: {  	v4 =	vperm.xlane v3, v0;
	_ =	sdelay $0x1  }
0x25f: {  	v4 =	vadd.s32 v1, v4;
	_ =	sdelay $0x3  }
0x260: {  	v3 =	vperm.xlane v3, v2  }
0x261: {  	[tilespmem:s10], [sflag:$0x2] =	stream.indirect_vreg.gather [hbm4b:s1+s3], $0x80, v4, vm0, $0xb8;
	[tilespmem:$0x18800] =	vst v63  }
0x262: {  	s30 =	simm.s32 $0x7000;
	v3 =	vadd.s32 v1, v3  }
0x263: {  	[tilespmem:s30], [sflag:$0x2] =	stream.indirect_vreg.gather [hbm4b:s5+s3], $0x80, v4, vm0, $0xb8;
	[tilespmem:$0x18800] =	vst v63  }
0x264: {  	s23 =	simm.s32 $0x7800  }
0x265: {  	[tilespmem:s23], [sflag:$0x2] =	stream.indirect_vreg.gather [hbm4b:s6+s3], $0x80, v4, vm0, $0xb8;
	[tilespmem:$0x18800] =	vst v63  }
0x266: {  	s30 =	simm.s32 $0x8000  }
0x267: {  	[tilespmem:s30], [sflag:$0x2] =	stream.indirect_vreg.gather [hbm4b:s1+s3], $0x80, v3, vm0, $0xb8;
	[tilespmem:$0x18800] =	vst v63  }
0x268: {  	s23 =	simm.s32 $0x8800  }
0x269: {  	[tilespmem:s23], [sflag:$0x2] =	stream.indirect_vreg.gather [hbm4b:s5+s3], $0x80, v3, vm0, $0xb8;
	[tilespmem:$0x18800] =	vst v63  }
0x26a: {  	s30 =	simm.s32 $0x9000  }
0x26b: {  	[tilespmem:s30], [sflag:$0x2] =	stream.indirect_vreg.gather [hbm4b:s6+s3], $0x80, v3, vm0, $0xb8;
	[tilespmem:$0x18800] =	vst v63  }
0x26c: {  	v3 =	vld [tilespmem:$0x690];
	_ =	sdelay $0x4  }
0x26d: {  	v59 =	vshrl.u32 v3, $0x3  }
0x26e: {  	v4 =	vmul.u32 $0x30, v59  }
0x26f: {  	v3 =	vand.u32 $0x7, v3  }
0x270: {  	v3 =	vor.u32 v3, v4  }
0x271: {  	v4 =	vperm.xlane v3, v0;
	_ =	sdelay $0x1  }
0x272: {  	v4 =	vadd.s32 v1, v4;
	_ =	sdelay $0x3  }
0x273: {  	s23 =	simm.s32 $0x9800;
	v3 =	vperm.xlane v3, v2  }
0x274: {  	[tilespmem:s23], [sflag:$0x2] =	stream.indirect_vreg.gather [hbm4b:s1+s3], $0x80, v4, vm0, $0xb8;
	[tilespmem:$0x18800] =	vst v63  }
0x275: {  	s30 =	simm.s32 $0xA000;
	v3 =	vadd.s32 v1, v3  }
0x276: {  	[tilespmem:s30], [sflag:$0x2] =	stream.indirect_vreg.gather [hbm4b:s5+s3], $0x80, v4, vm0, $0xb8;
	[tilespmem:$0x18800] =	vst v63  }
0x277: {  	s29 =	simm.s32 $0xA800  }
0x278: {  	[tilespmem:s29], [sflag:$0x2] =	stream.indirect_vreg.gather [hbm4b:s6+s3], $0x80, v4, vm0, $0xb8;
	[tilespmem:$0x18800] =	vst v63  }
0x279: {  	s31 =	simm.s32 $0xB000  }
0x27a: {  	[tilespmem:s31], [sflag:$0x2] =	stream.indirect_vreg.gather [hbm4b:s1+s3], $0x80, v3, vm0, $0xb8;
	[tilespmem:$0x18800] =	vst v63  }
0x27b: {  	s31 =	simm.s32 $0xB800  }
0x27c: {  	[tilespmem:s31], [sflag:$0x2] =	stream.indirect_vreg.gather [hbm4b:s5+s3], $0x80, v3, vm0, $0xb8;
	[tilespmem:$0x18800] =	vst v63  }
0x27d: {  	s19 =	simm.s32 $0xC000  }
0x27e: {  	[tilespmem:s19], [sflag:$0x2] =	stream.indirect_vreg.gather [hbm4b:s6+s3], $0x80, v3, vm0, $0xb8;
	[tilespmem:$0x18800] =	vst v63  }
0x27f: {  	_ =	swait.ge [sflag:s4], $0x6000  }
0x280: {  	[sflag:s4] =	ssyncset.done $0x0  }
0x281: {  	s19 =	rddreg [dreg:$0x10];
	[sflag:s4] =	ssyncadd.s32 $0xFFFFA000  }
0x282: {  	[hbm4b:s19+s3] =	stream.linear.scatter [tilespmem:s21], [sflag:$0x5], $0x6000, $0x38;
	[tilespmem:$0x18800] =	vst v63  }
0x283: {  	_ =	swait.ge [sflag:s16], $0x6000  }
0x284: {  	[sflag:s16] =	ssyncset.done $0x0  }
0x285: {  	[sflag:s16] =	ssyncadd.s32 $0xFFFFA000  }
0x286: {  	v3 =	vld [tilespmem:$0x700];
	_ =	sdelay $0x4  }
0x287: {  	v60 =	vshrl.u32 v3, $0x3  }
0x288: {  	v4 =	vmul.u32 $0x30, v60  }
0x289: {  	v3 =	vand.u32 $0x7, v3  }
0x28a: {  	v3 =	vor.u32 v3, v4  }
0x28b: {  	v4 =	vperm.xlane v3, v0;
	_ =	sdelay $0x1  }
0x28c: {  	v4 =	vadd.s32 v1, v4;
	_ =	sdelay $0x3  }
0x28d: {  	v3 =	vperm.xlane v3, v2  }
0x28e: {  	[tilespmem:s0], [sflag:$0x3] =	stream.indirect_vreg.gather [hbm4b:s1+s3], $0x80, v4, vm0, $0xb8;
	[tilespmem:$0x18800] =	vst v63  }
0x28f: {  	s2 =	simm.s32 $0xD000;
	v3 =	vadd.s32 v1, v3  }
0x290: {  	[tilespmem:s2], [sflag:$0x3] =	stream.indirect_vreg.gather [hbm4b:s5+s3], $0x80, v4, vm0, $0xb8;
	[tilespmem:$0x18800] =	vst v63  }
0x291: {  	s23 =	simm.s32 $0xD800  }
0x292: {  	[tilespmem:s23], [sflag:$0x3] =	stream.indirect_vreg.gather [hbm4b:s6+s3], $0x80, v4, vm0, $0xb8;
	[tilespmem:$0x18800] =	vst v63  }
0x293: {  	s9 =	simm.s32 $0xE000  }
0x294: {  	[tilespmem:s9], [sflag:$0x3] =	stream.indirect_vreg.gather [hbm4b:s1+s3], $0x80, v3, vm0, $0xb8;
	[tilespmem:$0x18800] =	vst v63  }
0x295: {  	s20 =	simm.s32 $0xE800  }
0x296: {  	[tilespmem:s20], [sflag:$0x3] =	stream.indirect_vreg.gather [hbm4b:s5+s3], $0x80, v3, vm0, $0xb8;
	[tilespmem:$0x18800] =	vst v63  }
0x297: {  	s29 =	simm.s32 $0xF000  }
0x298: {  	[tilespmem:s29], [sflag:$0x3] =	stream.indirect_vreg.gather [hbm4b:s6+s3], $0x80, v3, vm0, $0xb8;
	[tilespmem:$0x18800] =	vst v63  }
0x299: {  	v3 =	vld [tilespmem:$0x710];
	_ =	sdelay $0x4  }
0x29a: {  	v61 =	vshrl.u32 v3, $0x3  }
0x29b: {  	v4 =	vmul.u32 $0x30, v61  }
0x29c: {  	v3 =	vand.u32 $0x7, v3  }
0x29d: {  	v3 =	vor.u32 v3, v4  }
0x29e: {  	v4 =	vperm.xlane v3, v0;
	_ =	sdelay $0x1  }
0x29f: {  	v4 =	vadd.s32 v1, v4;
	_ =	sdelay $0x3  }
0x2a0: {  	s30 =	simm.s32 $0xF800;
	v3 =	vperm.xlane v3, v2  }
0x2a1: {  	[tilespmem:s30], [sflag:$0x3] =	stream.indirect_vreg.gather [hbm4b:s1+s3], $0x80, v4, vm0, $0xb8;
	[tilespmem:$0x18800] =	vst v63  }
0x2a2: {  	s24 =	simm.s32 $0x10000;
	v3 =	vadd.s32 v1, v3  }
0x2a3: {  	[tilespmem:s24], [sflag:$0x3] =	stream.indirect_vreg.gather [hbm4b:s5+s3], $0x80, v4, vm0, $0xb8;
	[tilespmem:$0x18800] =	vst v63  }
0x2a4: {  	s25 =	simm.s32 $0x10800  }
0x2a5: {  	[tilespmem:s25], [sflag:$0x3] =	stream.indirect_vreg.gather [hbm4b:s6+s3], $0x80, v4, vm0, $0xb8;
	[tilespmem:$0x18800] =	vst v63  }
0x2a6: {  	s26 =	simm.s32 $0x11000  }
0x2a7: {  	[tilespmem:s26], [sflag:$0x3] =	stream.indirect_vreg.gather [hbm4b:s1+s3], $0x80, v3, vm0, $0xb8;
	[tilespmem:$0x18800] =	vst v63  }
0x2a8: {  	s28 =	simm.s32 $0x11800  }
0x2a9: {  	[tilespmem:s28], [sflag:$0x3] =	stream.indirect_vreg.gather [hbm4b:s5+s3], $0x80, v3, vm0, $0xb8;
	[tilespmem:$0x18800] =	vst v63  }
0x2aa: {  	s31 =	simm.s32 $0x12000  }
0x2ab: {  	[tilespmem:s31], [sflag:$0x3] =	stream.indirect_vreg.gather [hbm4b:s6+s3], $0x80, v3, vm0, $0xb8;
	[tilespmem:$0x18800] =	vst v63  }
0x2ac: {  	_ =	swait.ge [sflag:s22], $0x6000  }
0x2ad: {  	[sflag:s22] =	ssyncset.done $0x0  }
0x2ae: {  	s10 =	simm.s32 $0x6800;
	s9 =	rddreg [dreg:$0x11];
	[sflag:s22] =	ssyncadd.s32 $0xFFFFA000  }
0x2af: {  	[hbm4b:s9+s3] =	stream.linear.scatter [tilespmem:s10], [sflag:$0x6], $0x6000, $0x38;
	[tilespmem:$0x18800] =	vst v63  }
0x2b0: {  	_ =	swait.ge [sflag:s17], $0x6000  }
0x2b1: {  	[sflag:s17] =	ssyncset.done $0x0  }
0x2b2: {  	[sflag:s17] =	ssyncadd.s32 $0xFFFFA000  }
0x2b3: {  	v3 =	vld [tilespmem:$0x780];
	_ =	sdelay $0x4  }
0x2b4: {  	v62 =	vshrl.u32 v3, $0x3  }
0x2b5: {  	v4 =	vmul.u32 $0x30, v62  }
0x2b6: {  	v3 =	vand.u32 $0x7, v3  }
0x2b7: {  	v3 =	vor.u32 v3, v4  }
0x2b8: {  	v4 =	vperm.xlane v3, v0;
	_ =	sdelay $0x1  }
0x2b9: {  	v4 =	vadd.s32 v1, v4;
	_ =	sdelay $0x3  }
0x2ba: {  	v3 =	vperm.xlane v3, v2  }
0x2bb: {  	[tilespmem:s11], [sflag:$0x4] =	stream.indirect_vreg.gather [hbm4b:s1+s3], $0x80, v4, vm0, $0xb8;
	[tilespmem:$0x18800] =	vst v63  }
0x2bc: {  	v3 =	vadd.s32 v1, v3  }
0x2bd: {  	[tilespmem:s8], [sflag:$0x4] =	stream.indirect_vreg.gather [hbm4b:s5+s3], $0x80, v4, vm0, $0xb8;
	[tilespmem:$0x18800] =	vst v63  }
0x2be: {  	s10 =	simm.s32 $0x13800  }
0x2bf: {  	[tilespmem:s10], [sflag:$0x4] =	stream.indirect_vreg.gather [hbm4b:s6+s3], $0x80, v4, vm0, $0xb8;
	[tilespmem:$0x18800] =	vst v63  }
0x2c0: {  	s18 =	simm.s32 $0x14000  }
0x2c1: {  	[tilespmem:s18], [sflag:$0x4] =	stream.indirect_vreg.gather [hbm4b:s1+s3], $0x80, v3, vm0, $0xb8;
	[tilespmem:$0x18800] =	vst v63  }
0x2c2: {  	s19 =	simm.s32 $0x14800  }
0x2c3: {  	[tilespmem:s19], [sflag:$0x4] =	stream.indirect_vreg.gather [hbm4b:s5+s3], $0x80, v3, vm0, $0xb8;
	[tilespmem:$0x18800] =	vst v63  }
0x2c4: {  	s20 =	simm.s32 $0x15000  }
0x2c5: {  	[tilespmem:s20], [sflag:$0x4] =	stream.indirect_vreg.gather [hbm4b:s6+s3], $0x80, v3, vm0, $0xb8;
	[tilespmem:$0x18800] =	vst v63  }
0x2c6: {  	v3 =	vld [tilespmem:$0x790];
	_ =	sdelay $0x4  }
0x2c7: {  	v63 =	vshrl.u32 v3, $0x3  }
0x2c8: {  	v4 =	vmul.u32 $0x30, v63  }
0x2c9: {  	v3 =	vand.u32 $0x7, v3  }
0x2ca: {  	v3 =	vor.u32 v3, v4  }
0x2cb: {  	v4 =	vperm.xlane v3, v0;
	_ =	sdelay $0x1  }
0x2cc: {  	v4 =	vadd.s32 v1, v4;
	_ =	sdelay $0x3  }
0x2cd: {  	s23 =	simm.s32 $0x15800;
	v3 =	vperm.xlane v3, v2  }
0x2ce: {  	[tilespmem:s23], [sflag:$0x4] =	stream.indirect_vreg.gather [hbm4b:s1+s3], $0x80, v4, vm0, $0xb8;
	[tilespmem:$0x18800] =	vst v63  }
0x2cf: {  	s24 =	simm.s32 $0x16000;
	v3 =	vadd.s32 v1, v3  }
0x2d0: {  	[tilespmem:s24], [sflag:$0x4] =	stream.indirect_vreg.gather [hbm4b:s5+s3], $0x80, v4, vm0, $0xb8;
	[tilespmem:$0x18800] =	vst v63  }
0x2d1: {  	s25 =	simm.s32 $0x16800  }
0x2d2: {  	[tilespmem:s25], [sflag:$0x4] =	stream.indirect_vreg.gather [hbm4b:s6+s3], $0x80, v4, vm0, $0xb8;
	[tilespmem:$0x18800] =	vst v63  }
0x2d3: {  	s26 =	simm.s32 $0x17000  }
0x2d4: {  	[tilespmem:s26], [sflag:$0x4] =	stream.indirect_vreg.gather [hbm4b:s1+s3], $0x80, v3, vm0, $0xb8;
	[tilespmem:$0x18800] =	vst v63  }
0x2d5: {  	s28 =	simm.s32 $0x17800  }
0x2d6: {  	[tilespmem:s28], [sflag:$0x4] =	stream.indirect_vreg.gather [hbm4b:s5+s3], $0x80, v3, vm0, $0xb8;
	[tilespmem:$0x18800] =	vst v63  }
0x2d7: {  	s29 =	simm.s32 $0x18000  }
0x2d8: {  	[tilespmem:s29], [sflag:$0x4] =	stream.indirect_vreg.gather [hbm4b:s6+s3], $0x80, v3, vm0, $0xb8;
	[tilespmem:$0x18800] =	vst v63  }
0x2d9: {  	_ =	swait.ge [sflag:s12], $0x6000  }
0x2da: {  	[sflag:s12] =	ssyncset.done $0x0  }
0x2db: {  	s0 =	simm.s32 $0xC800;
	s30 =	rddreg [dreg:$0x12];
	[sflag:s12] =	ssyncadd.s32 $0xFFFFA000  }
0x2dc: {  	[hbm4b:s30+s3] =	stream.linear.scatter [tilespmem:s0], [sflag:$0x7], $0x6000, $0x38;
	[tilespmem:$0x18800] =	vst v63  }
0x2dd: {  	_ =	swait.ge [sflag:s14], $0x6000  }
0x2de: {  	[sflag:s14] =	ssyncset.done $0x0  }
0x2df: {  	s31 =	rddreg [dreg:$0x13];
	[sflag:s14] =	ssyncadd.s32 $0xFFFFA000  }
0x2e0: {  	[hbm4b:s31+s3] =	stream.linear.scatter [tilespmem:s11], [sflag:$0x8], $0x6000, $0x38;
	[tilespmem:$0x18800] =	vst v63  }
0x2e1: {  	_ =	swait.ge [sflag:s13], $0x6000  }
0x2e2: {  	[sflag:s13] =	ssyncset.done $0x0  }
0x2e3: {  	[sflag:s13] =	ssyncadd.s32 $0xFFFFA000  }
0x2e4: {  	_ =	swait.ge [sflag:s15], $0x6000  }
0x2e5: {  	[sflag:s15] =	ssyncset.done $0x0  }
0x2e6: {  	[sflag:s15] =	ssyncadd.s32 $0xFFFFA000  }
0x2e7: {  	p0 =	sne.s32 s7, $0x1;
	_ =	swait.ge [sflag:s16], $0x6000  }
.Ltmp0:
0x2e8: {  	[sflag:s16] =	ssyncset.done $0x0;
	(pc) =	sbr.rel @p0 .LBB2_1-.Ltmp0, $4  }
0x2e9: {  	[sflag:s16] =	ssyncadd.s32 $0xFFFFA000  }
0x2ea: {  	_ =	swait.ge [sflag:s17], $0x6000  }
0x2eb: {  	[sflag:s17] =	ssyncset.done $0x0  }
0x2ec: {  	s7 =	sadd.s32 $0xFFFFFFFF, s7;
	[sflag:s17] =	ssyncadd.s32 $0xFFFFA000  }
0x2ed: {  	_ =	sfence.sel $0x180000  }
0x2ee: {  	[bflag:$0x0] =	sbarrier.arrive $0xFFFF  }
0x2ef: {  	_ =	strace $0x9000004A  }
0x2f0: {  	s0 =	stileid.u32;
	[bflag:$0x2] =	sbarrier.arrive $0xFFFF  }
0x2f1: {  	p0 =	sne.s32 s0, $0x0;
	s0 =	rddreg [dreg:$0x3]  }
0x2f2: {  	s0 =	sadd.s32 @!p0 $0x100000, s0  }
0x2f3: {  	[sflag:s0] =	ssyncadd.tile.s32 @!p0 $0x1;
	_ =	shalt  }
.Lfunc_end2:
_tile_overlayer_lowered:
.L_overlay_start_2:
0x2f4: {  	(tag) =	ssettag $0x2  }
0x2f5: {  	s0 =	rddreg [dreg:$0x0];
	s2 =	stileid.u32  }
0x2f6: {  	s1 =	rddreg [dreg:$0x1];
	p0 =	sne.s32 s2, $0x0  }
0x2f7: {  	s3 =	rddreg [dreg:$0x2];
	[bflag:$0x3] =	sbarrier.arrive $0xFFFF;
	s2 =	simm.s32 @!p0 $0x1C09  }
0x2f8: {  	[timem:s3], [sflag:s2] =	dma.local @!p0 [hbm:s0], s1  }
0x2f9: {  	s0 =	simm.s32 @!p0 $0x9  }
0x2fa: {  	_ =	swait.ge @!p0 [sflag:s0], s1  }
0x2fb: {  	s1 =	ssub.s32 @!p0 $0x0, s1;
	[sflag:s0] =	ssyncset.done @!p0 $0x0  }
0x2fc: {  	[sflag:s0] =	ssyncadd.s32 @!p0 s1  }
0x2fd: {  	[bflag:$0x3] =	sbarrier.arrive $0xFFFF  }
0x2fe: {  	_ =	shalt  }

</sc_bundles>
